<compile_context>
chip_gen: v7x
topology: tpu7x:2x2x1
jax: 0.10.2.dev20260603
libtpu: 0.0.44.dev20260713+nightly
codegen_flags: <defaults>
</compile_context>

<pallas_src>
import functools

import jax
import jax.numpy as jnp
from jax import lax
from jax.experimental import pallas as pl
from jax.experimental.pallas import tpu as pltpu
from jax.experimental.pallas import tpu_sc as plsc

B, L, V, D = 16384, 20, 100000, 64
NC, NS = 2, 16
NW = NC * NS
GSZ = 128
GPR = 8
CH = 2
BC = B // CH


GPB = 5
NBUF = 2


def _sc_gather(table, idx, n):
    rows_w = n // NW
    ng = rows_w // GSZ
    steps = ng // GPB
    assert steps * GPB == ng and steps % NBUF == 0
    mesh = plsc.VectorSubcoreMesh(core_axis_name="c", subcore_axis_name="s")

    @functools.partial(
        pl.kernel,
        mesh=mesh,
        out_type=jax.ShapeDtypeStruct((n // GSZ, GSZ, D), jnp.float32),
        scratch_types=[
            pltpu.VMEM((ng, GSZ), jnp.int32),
            pltpu.VMEM((NBUF, GPB, GSZ, D), jnp.float32),
            pltpu.SemaphoreType.DMA,
            pltpu.SemaphoreType.DMA,
        ],
        compiler_params=pltpu.CompilerParams(use_tc_tiling_on_sc=False),
    )
    def k(table_hbm, idx_hbm, out_hbm, idx_v, rows_v, sem_g, sem_o):
        wid = lax.axis_index("s") * NC + lax.axis_index("c")
        pltpu.sync_copy(idx_hbm.at[wid], idx_v)
        out_base = wid * (rows_w // GSZ)

        def out_slice(s):
            return out_hbm.at[pl.ds(out_base + s * GPB, GPB)]

        def round_body(r, carry):
            for b in range(NBUF):
                s = r * NBUF + b

                @pl.when(s >= NBUF)
                def _():
                    pltpu.make_async_copy(
                        rows_v.at[b], out_slice(s - NBUF), sem_o
                    ).wait()

                gathers = [
                    pltpu.async_copy(
                        table_hbm.at[idx_v.at[s * GPB + g]],
                        rows_v.at[b].at[g],
                        sem_g,
                    )
                    for g in range(GPB)
                ]
                for c in gathers:
                    c.wait()
                pltpu.async_copy(rows_v.at[b], out_slice(s), sem_o)
            return carry

        lax.fori_loop(0, steps // NBUF, round_body, 0)
        for b in range(NBUF):
            pltpu.make_async_copy(
                rows_v.at[b], out_slice(b), sem_o
            ).wait()

    return k(table, idx)


def _mlp(u2, e2, w1u2, w1e2, b1_2, w2_2, b2_2, w3_2, b3_2):
    R2 = BC // 2

    def body(u_ref, e_ref, w1u_ref, w1e_ref, b1_ref, w2_ref, b2_ref,
             w3_ref, b3_ref, o_ref, uh_ref):
        l = pl.program_id(0)

        @pl.when(l == 0)
        def _():
            uh_ref[...] = jnp.dot(
                u_ref[...], w1u_ref[...], preferred_element_type=jnp.float32
            )
            o_ref[...] = jnp.zeros_like(o_ref)

        h = uh_ref[...] + jnp.dot(
            e_ref[0], w1e_ref[...], preferred_element_type=jnp.float32
        )
        h = jnp.maximum(h + b1_ref[...], 0.0)
        h = jnp.maximum(
            jnp.dot(h, w2_ref[...], preferred_element_type=jnp.float32)
            + b2_ref[...],
            0.0,
        )
        o2 = (
            jnp.dot(h, w3_ref[...], preferred_element_type=jnp.float32)
            + b3_ref[...]
        )
        rows2 = lax.broadcasted_iota(jnp.int32, (2, 128), 0)
        cols = lax.broadcasted_iota(jnp.int32, (2, 128), 1)
        sel = (cols == rows2 * 64 + l).astype(jnp.float32)
        o_ref[...] += jnp.dot(o2, sel, preferred_element_type=jnp.float32)

    return pl.pallas_call(
        body,
        grid=(L,),
        in_specs=[
            pl.BlockSpec((R2, 128), lambda l: (0, 0)),
            pl.BlockSpec((1, R2, 128), lambda l: (l, 0, 0)),
            pl.BlockSpec((128, 128), lambda l: (0, 0)),
            pl.BlockSpec((128, 128), lambda l: (0, 0)),
            pl.BlockSpec((1, 128), lambda l: (0, 0)),
            pl.BlockSpec((128, 64), lambda l: (0, 0)),
            pl.BlockSpec((1, 64), lambda l: (0, 0)),
            pl.BlockSpec((64, 2), lambda l: (0, 0)),
            pl.BlockSpec((1, 2), lambda l: (0, 0)),
        ],
        out_specs=pl.BlockSpec((R2, 128), lambda l: (0, 0)),
        out_shape=jax.ShapeDtypeStruct((BC // 2, 128), jnp.float32),
        scratch_shapes=[pltpu.VMEM((R2, 128), jnp.float32)],
        compiler_params=pltpu.CompilerParams(
            dimension_semantics=("arbitrary",)
        ),
    )(u2, e2, w1u2, w1e2, b1_2, w2_2, b2_2, w3_2, b3_2)


def _blockdiag2(m):
    z = jnp.zeros_like(m)
    return jnp.concatenate(
        [jnp.concatenate([m, z], axis=1), jnp.concatenate([z, m], axis=1)],
        axis=0,
    )


def kernel(user_emb, items, items_emb, W1, b1, W2, b2, W3, b3):
    t2 = lax.optimization_barrier(items_emb.reshape(V // 2, 128))
    table = t2.reshape(V, D)

    w1u2 = _blockdiag2(W1[:, :D].T)
    w1e2 = _blockdiag2(W1[:, D:].T)
    b1_2 = jnp.tile(b1.reshape(1, 64), (1, 2))
    w2_2 = _blockdiag2(W2.T)
    b2_2 = jnp.tile(b2.reshape(1, 32), (1, 2))
    w3_2 = _blockdiag2(W3.reshape(32, 1))
    b3_2 = jnp.tile(b3.reshape(1, 1), (1, 2))

    nc = BC * L
    ng = nc // NW // GSZ
    es = []
    for c in range(CH):
        idx_c = items[c * BC:(c + 1) * BC, :].T.reshape(NW, ng, GSZ)
        es.append(_sc_gather(table, idx_c, nc))
    outs = []
    for c in range(CH):
        e2 = es[c].reshape(L, BC // 2, 128)
        u2 = user_emb[c * BC:(c + 1) * BC, :].reshape(BC // 2, 128)
        outs.append(
            _mlp(u2, e2, w1u2, w1e2, b1_2, w2_2, b2_2, w3_2, b3_2)
        )
    out_v = jnp.concatenate(outs, axis=0)
    return out_v.reshape(B, 64)[:, :L]

# --- scband reference (transcript-rebuilt; emitter-appended) ---
"""Pipeline reference for scband-fed-rec-server-70085276336486 (READ-ONLY COPY).

The authoritative reference and input builder live on the scoring server;
editing this copy changes nothing except your own understanding.
"""

import jax, jax.numpy as jnp
import numpy as np

B, L, V, D = 16384, 20, 100000, 64
# layers_dim = [2*dim] + [64, 32] + [1] = [128, 64, 32, 1]

def _kaiming_uniform(key, shape):
    # torch kaiming_uniform_ with nonlinearity='relu': bound = sqrt(2) * sqrt(3 / fan_in)
    fan_in = shape[1]
    bound = np.sqrt(6.0 / fan_in)
    return jax.random.uniform(key, shape, jnp.float32, -bound, bound)

def setup_inputs(seed: int = 0) -> dict:
    key = jax.random.key(seed)
    ks = jax.random.split(key, 8)
    items = jax.random.randint(ks[0], (B, L), 0, V, dtype=jnp.int64 if jax.config.jax_enable_x64 else jnp.int32).astype(jnp.int32)
    user_emb = jax.random.normal(ks[1], (B, D), dtype=jnp.float32) * 0.01
    items_emb = jax.random.normal(ks[2], (V, D), dtype=jnp.float32) * 0.01  # nn.init.normal_(std=0.01)
    W1 = _kaiming_uniform(ks[3], (64, 2 * D)); b1 = jnp.zeros((64,), jnp.float32)
    W2 = _kaiming_uniform(ks[4], (32, 64));    b2 = jnp.zeros((32,), jnp.float32)
    W3 = _kaiming_uniform(ks[5], (1, 32));     b3 = jnp.zeros((1,), jnp.float32)
    return {"user_emb": user_emb, "items": items, "items_emb": items_emb,
            "W1": W1, "b1": b1, "W2": W2, "b2": b2, "W3": W3, "b3": b3}

def reference(user_emb, items, items_emb, W1, b1, W2, b2, W3, b3):
    # FedRec scoring path: items_emb lookup, concat with user embedding, MLP tower.
    e = jnp.take(items_emb, items, axis=0)                      # [B, L, D] gather
    u = jnp.broadcast_to(user_emb[:, None, :], e.shape)          # [B, L, D]
    x = jnp.concatenate([u, e], axis=-1)                         # [B, L, 2D]
    h = jax.nn.relu(x @ W1.T + b1)
    h = jax.nn.relu(h @ W2.T + b2)
    out = h @ W3.T + b3                                          # [B, L, 1]
    return out.squeeze(-1)                                       # [B, L]

if __name__ == "__main__":
    import jax
    _d = setup_inputs()
    print(jax.jit(kernel)(*tuple(_d.values())))

</pallas_src>

<mosaic_0001>
#map = affine_map<(d0, d1) -> (0, 0)>
#map1 = affine_map<(d0, d1) -> (0, 0, 0)>
module attributes {stable_mosaic.version = 14 : i64} {
  func.func @k(%arg0: i32, %arg1: i32, %arg2: memref<100000x64xf32, #tpu.memory_space<hbm>>, %arg3: memref<32x40x128xi32, #tpu.memory_space<hbm>>, %arg4: memref<1280x128x64xf32, #tpu.memory_space<hbm>>, %arg5: memref<40x128xi32, #tpu.memory_space<vmem>>, %arg6: memref<2x5x128x64xf32, #tpu.memory_space<vmem>>, %arg7: memref<!tpu.dma_semaphore, #tpu.memory_space<semaphore_mem>>, %arg8: memref<!tpu.dma_semaphore, #tpu.memory_space<semaphore_mem>>) attributes {dimension_semantics = [#tpu.dimension_semantics<core_parallel>, #tpu.dimension_semantics<subcore_parallel>], iteration_bounds = array<i64: 2, 16>, scalar_prefetch = 0 : i64, scratch_operands = 4 : i64, tpu.core_type = #tpu.core_type<sc_vector_subcore>, window_params = [{transform_indices = #map}, {transform_indices = #map1}, {transform_indices = #map1}]} {
    %mul3A = arith.constant 2 : i32
    %mul3A_0 = arith.muli %arg1, %mul3A : i32
    %add3A = arith.addi %mul3A_0, %arg0 : i32
    "tpu.region"() ({
      %run_scoped3A = tpu.sem_alloc : memref<!tpu.dma_semaphore, #tpu.memory_space<semaphore_mem>>
      %dma_start3A = arith.constant 0 : i32
      %dma_start3A_45 = arith.constant 0 : i32
      %dma_start3A_46 = tpu.memref_slice %arg3[%add3A, %dma_start3A, %dma_start3A_45] : memref<32x40x128xi32, #tpu.memory_space<hbm>> -> memref<1x40x128xi32, #tpu.memory_space<hbm>>
      %dma_start3A_47 = tpu.memref_squeeze %dma_start3A_46 : memref<1x40x128xi32, #tpu.memory_space<hbm>> -> memref<40x128xi32, #tpu.memory_space<hbm>>
      %dma_start3A_48 = arith.constant 0 : i32
      %dma_start3A_49 = arith.constant 0 : i32
      %dma_start3A_50 = tpu.memref_slice %arg3[%add3A, %dma_start3A_48, %dma_start3A_49] : memref<32x40x128xi32, #tpu.memory_space<hbm>> -> memref<1x40x128xi32, #tpu.memory_space<hbm>>
      %dma_start3A_51 = tpu.memref_squeeze %dma_start3A_50 : memref<1x40x128xi32, #tpu.memory_space<hbm>> -> memref<40x128xi32, #tpu.memory_space<hbm>>
      tpu.enqueue_dma source(%dma_start3A_51 : memref<40x128xi32, #tpu.memory_space<hbm>>) target(%arg5 : memref<40x128xi32, #tpu.memory_space<vmem>>) target_semaphore(%run_scoped3A : memref<!tpu.dma_semaphore, #tpu.memory_space<semaphore_mem>>)
      %dma_wait3A_52 = arith.constant 0 : i32
      %dma_wait3A_53 = arith.constant 0 : i32
      %dma_wait3A_54 = tpu.memref_slice %arg3[%add3A, %dma_wait3A_52, %dma_wait3A_53] : memref<32x40x128xi32, #tpu.memory_space<hbm>> -> memref<1x40x128xi32, #tpu.memory_space<hbm>>
      %dma_wait3A_55 = tpu.memref_squeeze %dma_wait3A_54 : memref<1x40x128xi32, #tpu.memory_space<hbm>> -> memref<40x128xi32, #tpu.memory_space<hbm>>
      %dma_wait3A_56 = arith.constant 0 : i32
      %dma_wait3A_57 = arith.constant 0 : i32
      %dma_wait3A_58 = tpu.memref_slice %arg3[%add3A, %dma_wait3A_56, %dma_wait3A_57] : memref<32x40x128xi32, #tpu.memory_space<hbm>> -> memref<1x40x128xi32, #tpu.memory_space<hbm>>
      %dma_wait3A_59 = tpu.memref_squeeze %dma_wait3A_58 : memref<1x40x128xi32, #tpu.memory_space<hbm>> -> memref<40x128xi32, #tpu.memory_space<hbm>>
      tpu.wait_dma2 semaphore(%run_scoped3A : memref<!tpu.dma_semaphore, #tpu.memory_space<semaphore_mem>>) src(%dma_wait3A_59 : memref<40x128xi32, #tpu.memory_space<hbm>>) dst(%arg5 : memref<40x128xi32, #tpu.memory_space<vmem>>)
      tpu.yield
    }) : () -> ()
    %mul3A_1 = arith.constant 40 : i32
    %mul3A_2 = arith.muli %add3A, %mul3A_1 : i32
    %scan3A = arith.constant 0 : i32
    %scan3A_3 = arith.constant 0 : i32
    %scan3A_4 = arith.constant 4 : i32
    %scan3A_5 = arith.addi %scan3A_3, %scan3A_4 : i32
    %scan3A_6 = arith.constant 1 : i32
    scf.for %scan3A_45 = %scan3A_3 to %scan3A_5 step %scan3A_6  : i32 {
      %mul3A_46 = arith.constant 2 : i32
      %mul3A_47 = arith.muli %scan3A_45, %mul3A_46 : i32
      %add3A_48 = arith.constant 0 : i32
      %add3A_49 = arith.addi %mul3A_47, %add3A_48 : i32
      %ge3A = arith.constant 2 : i32
      %ge3A_50 = arith.cmpi sge, %add3A_49, %ge3A : i32
      %convert_element_type3A = arith.extui %ge3A_50 : i1 to i32
      %cond3A = arith.constant 0 : i32
      %cond3A_51 = arith.cmpi ne, %convert_element_type3A, %cond3A : i32
      scf.if %cond3A_51 {
        %sub3A = arith.constant 2 : i32
        %sub3A_480 = arith.subi %add3A_49, %sub3A : i32
        %mul3A_481 = arith.constant 5 : i32
        %mul3A_482 = arith.muli %sub3A_480, %mul3A_481 : i32
        %add3A_483 = arith.addi %mul3A_2, %mul3A_482 : i32
        %dma_wait3A_484 = arith.constant 0 : i32
        %dma_wait3A_485 = arith.constant 0 : i32
        %dma_wait3A_486 = arith.constant 0 : i32
        %dma_wait3A_487 = arith.constant 0 : i32
        %dma_wait3A_488 = tpu.memref_slice %arg6[%dma_wait3A_484, %dma_wait3A_485, %dma_wait3A_486, %dma_wait3A_487] : memref<2x5x128x64xf32, #tpu.memory_space<vmem>> -> memref<1x5x128x64xf32, #tpu.memory_space<vmem>>
        %dma_wait3A_489 = tpu.memref_squeeze %dma_wait3A_488 : memref<1x5x128x64xf32, #tpu.memory_space<vmem>> -> memref<5x128x64xf32, #tpu.memory_space<vmem>>
        %dma_wait3A_490 = arith.constant 0 : i32
        %dma_wait3A_491 = arith.constant 0 : i32
        %dma_wait3A_492 = tpu.memref_slice %arg4[%add3A_483, %dma_wait3A_490, %dma_wait3A_491] : memref<1280x128x64xf32, #tpu.memory_space<hbm>> -> memref<5x128x64xf32, #tpu.memory_space<hbm>>
        %dma_wait3A_493 = arith.constant 0 : i32
        %dma_wait3A_494 = arith.constant 0 : i32
        %dma_wait3A_495 = tpu.memref_slice %arg4[%add3A_483, %dma_wait3A_493, %dma_wait3A_494] : memref<1280x128x64xf32, #tpu.memory_space<hbm>> -> memref<5x128x64xf32, #tpu.memory_space<hbm>>
        %dma_wait3A_496 = arith.constant 0 : i32
        %dma_wait3A_497 = arith.constant 0 : i32
        %dma_wait3A_498 = arith.constant 0 : i32
        %dma_wait3A_499 = tpu.memref_slice %arg6[%dma_wait3A_484, %dma_wait3A_496, %dma_wait3A_497, %dma_wait3A_498] : memref<2x5x128x64xf32, #tpu.memory_space<vmem>> -> memref<1x5x128x64xf32, #tpu.memory_space<vmem>>
        %dma_wait3A_500 = tpu.memref_squeeze %dma_wait3A_499 : memref<1x5x128x64xf32, #tpu.memory_space<vmem>> -> memref<5x128x64xf32, #tpu.memory_space<vmem>>
        tpu.wait_dma2 semaphore(%arg8 : memref<!tpu.dma_semaphore, #tpu.memory_space<semaphore_mem>>) src(%dma_wait3A_500 : memref<5x128x64xf32, #tpu.memory_space<vmem>>) dst(%dma_wait3A_495 : memref<5x128x64xf32, #tpu.memory_space<hbm>>)
      } else {
      }
      %mul3A_52 = arith.constant 5 : i32
      %mul3A_53 = arith.muli %add3A_49, %mul3A_52 : i32
      %add3A_54 = arith.constant 0 : i32
      %add3A_55 = arith.addi %mul3A_53, %add3A_54 : i32
      %dma_start3A = arith.constant 0 : i32
      %dma_start3A_56 = arith.constant 0 : i32
      %dma_start3A_57 = arith.constant 0 : i32
      %dma_start3A_58 = arith.constant 0 : i32
      %dma_start3A_59 = arith.constant 0 : i32
      %dma_start3A_60 = tpu.memref_slice %arg6[%dma_start3A, %dma_start3A_57, %dma_start3A_58, %dma_start3A_59] : memref<2x5x128x64xf32, #tpu.memory_space<vmem>> -> memref<1x5x128x64xf32, #tpu.memory_space<vmem>>
      %dma_start3A_61 = tpu.memref_squeeze %dma_start3A_60 : memref<1x5x128x64xf32, #tpu.memory_space<vmem>> -> memref<5x128x64xf32, #tpu.memory_space<vmem>>
      %dma_start3A_62 = arith.constant 0 : i32
      %dma_start3A_63 = arith.constant 0 : i32
      %dma_start3A_64 = tpu.memref_slice %dma_start3A_61[%dma_start3A_56, %dma_start3A_62, %dma_start3A_63] : memref<5x128x64xf32, #tpu.memory_space<vmem>> -> memref<1x128x64xf32, #tpu.memory_space<vmem>>
      %dma_start3A_65 = tpu.memref_squeeze %dma_start3A_64 : memref<1x128x64xf32, #tpu.memory_space<vmem>> -> memref<128x64xf32, #tpu.memory_space<vmem>>
      %dma_start3A_66 = arith.constant 0 : i32
      %dma_start3A_67 = tpu.memref_slice %arg5[%add3A_55, %dma_start3A_66] : memref<40x128xi32, #tpu.memory_space<vmem>> -> memref<1x128xi32, #tpu.memory_space<vmem>>
      %dma_start3A_68 = tpu.memref_squeeze %dma_start3A_67 : memref<1x128xi32, #tpu.memory_space<vmem>> -> memref<128xi32, #tpu.memory_space<vmem>>
      %dma_start3A_69 = arith.constant 0 : i32
      %dma_start3A_70 = arith.constant 0 : i32
      %dma_start3A_71 = tpu.memref_slice %arg2[%dma_start3A_69, %dma_start3A_70] : memref<100000x64xf32, #tpu.memory_space<hbm>> -> memref<100000x64xf32, #tpu.memory_space<hbm>>
      tpu.enqueue_indirect_dma source(%dma_start3A_71 : memref<100000x64xf32, #tpu.memory_space<hbm>>) target(%dma_start3A_65 : memref<128x64xf32, #tpu.memory_space<vmem>>) offsets(%dma_start3A_68 : memref<128xi32, #tpu.memory_space<vmem>>) semaphore(%arg7 : memref<!tpu.dma_semaphore, #tpu.memory_space<semaphore_mem>>)
      %mul3A_72 = arith.constant 5 : i32
      %mul3A_73 = arith.muli %add3A_49, %mul3A_72 : i32
      %add3A_74 = arith.constant 1 : i32
      %add3A_75 = arith.addi %mul3A_73, %add3A_74 : i32
      %dma_start3A_76 = arith.constant 0 : i32
      %dma_start3A_77 = arith.constant 1 : i32
      %dma_start3A_78 = arith.constant 0 : i32
      %dma_start3A_79 = arith.constant 0 : i32
      %dma_start3A_80 = arith.constant 0 : i32
      %dma_start3A_81 = tpu.memref_slice %arg6[%dma_start3A_76, %dma_start3A_78, %dma_start3A_79, %dma_start3A_80] : memref<2x5x128x64xf32, #tpu.memory_space<vmem>> -> memref<1x5x128x64xf32, #tpu.memory_space<vmem>>
      %dma_start3A_82 = tpu.memref_squeeze %dma_start3A_81 : memref<1x5x128x64xf32, #tpu.memory_space<vmem>> -> memref<5x128x64xf32, #tpu.memory_space<vmem>>
      %dma_start3A_83 = arith.constant 0 : i32
      %dma_start3A_84 = arith.constant 0 : i32
      %dma_start3A_85 = tpu.memref_slice %dma_start3A_82[%dma_start3A_77, %dma_start3A_83, %dma_start3A_84] : memref<5x128x64xf32, #tpu.memory_space<vmem>> -> memref<1x128x64xf32, #tpu.memory_space<vmem>>
      %dma_start3A_86 = tpu.memref_squeeze %dma_start3A_85 : memref<1x128x64xf32, #tpu.memory_space<vmem>> -> memref<128x64xf32, #tpu.memory_space<vmem>>
      %dma_start3A_87 = arith.constant 0 : i32
      %dma_start3A_88 = tpu.memref_slice %arg5[%add3A_75, %dma_start3A_87] : memref<40x128xi32, #tpu.memory_space<vmem>> -> memref<1x128xi32, #tpu.memory_space<vmem>>
      %dma_start3A_89 = tpu.memref_squeeze %dma_start3A_88 : memref<1x128xi32, #tpu.memory_space<vmem>> -> memref<128xi32, #tpu.memory_space<vmem>>
      %dma_start3A_90 = arith.constant 0 : i32
      %dma_start3A_91 = arith.constant 0 : i32
      %dma_start3A_92 = tpu.memref_slice %arg2[%dma_start3A_90, %dma_start3A_91] : memref<100000x64xf32, #tpu.memory_space<hbm>> -> memref<100000x64xf32, #tpu.memory_space<hbm>>
      tpu.enqueue_indirect_dma source(%dma_start3A_92 : memref<100000x64xf32, #tpu.memory_space<hbm>>) target(%dma_start3A_86 : memref<128x64xf32, #tpu.memory_space<vmem>>) offsets(%dma_start3A_89 : memref<128xi32, #tpu.memory_space<vmem>>) semaphore(%arg7 : memref<!tpu.dma_semaphore, #tpu.memory_space<semaphore_mem>>)
      %mul3A_93 = arith.constant 5 : i32
      %mul3A_94 = arith.muli %add3A_49, %mul3A_93 : i32
      %add3A_95 = arith.constant 2 : i32
      %add3A_96 = arith.addi %mul3A_94, %add3A_95 : i32
      %dma_start3A_97 = arith.constant 0 : i32
      %dma_start3A_98 = arith.constant 2 : i32
      %dma_start3A_99 = arith.constant 0 : i32
      %dma_start3A_100 = arith.constant 0 : i32
      %dma_start3A_101 = arith.constant 0 : i32
      %dma_start3A_102 = tpu.memref_slice %arg6[%dma_start3A_97, %dma_start3A_99, %dma_start3A_100, %dma_start3A_101] : memref<2x5x128x64xf32, #tpu.memory_space<vmem>> -> memref<1x5x128x64xf32, #tpu.memory_space<vmem>>
      %dma_start3A_103 = tpu.memref_squeeze %dma_start3A_102 : memref<1x5x128x64xf32, #tpu.memory_space<vmem>> -> memref<5x128x64xf32, #tpu.memory_space<vmem>>
      %dma_start3A_104 = arith.constant 0 : i32
      %dma_start3A_105 = arith.constant 0 : i32
      %dma_start3A_106 = tpu.memref_slice %dma_start3A_103[%dma_start3A_98, %dma_start3A_104, %dma_start3A_105] : memref<5x128x64xf32, #tpu.memory_space<vmem>> -> memref<1x128x64xf32, #tpu.memory_space<vmem>>
      %dma_start3A_107 = tpu.memref_squeeze %dma_start3A_106 : memref<1x128x64xf32, #tpu.memory_space<vmem>> -> memref<128x64xf32, #tpu.memory_space<vmem>>
      %dma_start3A_108 = arith.constant 0 : i32
      %dma_start3A_109 = tpu.memref_slice %arg5[%add3A_96, %dma_start3A_108] : memref<40x128xi32, #tpu.memory_space<vmem>> -> memref<1x128xi32, #tpu.memory_space<vmem>>
      %dma_start3A_110 = tpu.memref_squeeze %dma_start3A_109 : memref<1x128xi32, #tpu.memory_space<vmem>> -> memref<128xi32, #tpu.memory_space<vmem>>
      %dma_start3A_111 = arith.constant 0 : i32
      %dma_start3A_112 = arith.constant 0 : i32
      %dma_start3A_113 = tpu.memref_slice %arg2[%dma_start3A_111, %dma_start3A_112] : memref<100000x64xf32, #tpu.memory_space<hbm>> -> memref<100000x64xf32, #tpu.memory_space<hbm>>
      tpu.enqueue_indirect_dma source(%dma_start3A_113 : memref<100000x64xf32, #tpu.memory_space<hbm>>) target(%dma_start3A_107 : memref<128x64xf32, #tpu.memory_space<vmem>>) offsets(%dma_start3A_110 : memref<128xi32, #tpu.memory_space<vmem>>) semaphore(%arg7 : memref<!tpu.dma_semaphore, #tpu.memory_space<semaphore_mem>>)
      %mul3A_114 = arith.constant 5 : i32
      %mul3A_115 = arith.muli %add3A_49, %mul3A_114 : i32
      %add3A_116 = arith.constant 3 : i32
      %add3A_117 = arith.addi %mul3A_115, %add3A_116 : i32
      %dma_start3A_118 = arith.constant 0 : i32
      %dma_start3A_119 = arith.constant 3 : i32
      %dma_start3A_120 = arith.constant 0 : i32
      %dma_start3A_121 = arith.constant 0 : i32
      %dma_start3A_122 = arith.constant 0 : i32
      %dma_start3A_123 = tpu.memref_slice %arg6[%dma_start3A_118, %dma_start3A_120, %dma_start3A_121, %dma_start3A_122] : memref<2x5x128x64xf32, #tpu.memory_space<vmem>> -> memref<1x5x128x64xf32, #tpu.memory_space<vmem>>
      %dma_start3A_124 = tpu.memref_squeeze %dma_start3A_123 : memref<1x5x128x64xf32, #tpu.memory_space<vmem>> -> memref<5x128x64xf32, #tpu.memory_space<vmem>>
      %dma_start3A_125 = arith.constant 0 : i32
      %dma_start3A_126 = arith.constant 0 : i32
      %dma_start3A_127 = tpu.memref_slice %dma_start3A_124[%dma_start3A_119, %dma_start3A_125, %dma_start3A_126] : memref<5x128x64xf32, #tpu.memory_space<vmem>> -> memref<1x128x64xf32, #tpu.memory_space<vmem>>
      %dma_start3A_128 = tpu.memref_squeeze %dma_start3A_127 : memref<1x128x64xf32, #tpu.memory_space<vmem>> -> memref<128x64xf32, #tpu.memory_space<vmem>>
      %dma_start3A_129 = arith.constant 0 : i32
      %dma_start3A_130 = tpu.memref_slice %arg5[%add3A_117, %dma_start3A_129] : memref<40x128xi32, #tpu.memory_space<vmem>> -> memref<1x128xi32, #tpu.memory_space<vmem>>
      %dma_start3A_131 = tpu.memref_squeeze %dma_start3A_130 : memref<1x128xi32, #tpu.memory_space<vmem>> -> memref<128xi32, #tpu.memory_space<vmem>>
      %dma_start3A_132 = arith.constant 0 : i32
      %dma_start3A_133 = arith.constant 0 : i32
      %dma_start3A_134 = tpu.memref_slice %arg2[%dma_start3A_132, %dma_start3A_133] : memref<100000x64xf32, #tpu.memory_space<hbm>> -> memref<100000x64xf32, #tpu.memory_space<hbm>>
      tpu.enqueue_indirect_dma source(%dma_start3A_134 : memref<100000x64xf32, #tpu.memory_space<hbm>>) target(%dma_start3A_128 : memref<128x64xf32, #tpu.memory_space<vmem>>) offsets(%dma_start3A_131 : memref<128xi32, #tpu.memory_space<vmem>>) semaphore(%arg7 : memref<!tpu.dma_semaphore, #tpu.memory_space<semaphore_mem>>)
      %mul3A_135 = arith.constant 5 : i32
      %mul3A_136 = arith.muli %add3A_49, %mul3A_135 : i32
      %add3A_137 = arith.constant 4 : i32
      %add3A_138 = arith.addi %mul3A_136, %add3A_137 : i32
      %dma_start3A_139 = arith.constant 0 : i32
      %dma_start3A_140 = arith.constant 4 : i32
      %dma_start3A_141 = arith.constant 0 : i32
      %dma_start3A_142 = arith.constant 0 : i32
      %dma_start3A_143 = arith.constant 0 : i32
      %dma_start3A_144 = tpu.memref_slice %arg6[%dma_start3A_139, %dma_start3A_141, %dma_start3A_142, %dma_start3A_143] : memref<2x5x128x64xf32, #tpu.memory_space<vmem>> -> memref<1x5x128x64xf32, #tpu.memory_space<vmem>>
      %dma_start3A_145 = tpu.memref_squeeze %dma_start3A_144 : memref<1x5x128x64xf32, #tpu.memory_space<vmem>> -> memref<5x128x64xf32, #tpu.memory_space<vmem>>
      %dma_start3A_146 = arith.constant 0 : i32
      %dma_start3A_147 = arith.constant 0 : i32
      %dma_start3A_148 = tpu.memref_slice %dma_start3A_145[%dma_start3A_140, %dma_start3A_146, %dma_start3A_147] : memref<5x128x64xf32, #tpu.memory_space<vmem>> -> memref<1x128x64xf32, #tpu.memory_space<vmem>>
      %dma_start3A_149 = tpu.memref_squeeze %dma_start3A_148 : memref<1x128x64xf32, #tpu.memory_space<vmem>> -> memref<128x64xf32, #tpu.memory_space<vmem>>
      %dma_start3A_150 = arith.constant 0 : i32
      %dma_start3A_151 = tpu.memref_slice %arg5[%add3A_138, %dma_start3A_150] : memref<40x128xi32, #tpu.memory_space<vmem>> -> memref<1x128xi32, #tpu.memory_space<vmem>>
      %dma_start3A_152 = tpu.memref_squeeze %dma_start3A_151 : memref<1x128xi32, #tpu.memory_space<vmem>> -> memref<128xi32, #tpu.memory_space<vmem>>
      %dma_start3A_153 = arith.constant 0 : i32
      %dma_start3A_154 = arith.constant 0 : i32
      %dma_start3A_155 = tpu.memref_slice %arg2[%dma_start3A_153, %dma_start3A_154] : memref<100000x64xf32, #tpu.memory_space<hbm>> -> memref<100000x64xf32, #tpu.memory_space<hbm>>
      tpu.enqueue_indirect_dma source(%dma_start3A_155 : memref<100000x64xf32, #tpu.memory_space<hbm>>) target(%dma_start3A_149 : memref<128x64xf32, #tpu.memory_space<vmem>>) offsets(%dma_start3A_152 : memref<128xi32, #tpu.memory_space<vmem>>) semaphore(%arg7 : memref<!tpu.dma_semaphore, #tpu.memory_space<semaphore_mem>>)
      %dma_wait3A_156 = arith.constant 0 : i32
      %dma_wait3A_157 = arith.constant 0 : i32
      %dma_wait3A_158 = arith.constant 0 : i32
      %dma_wait3A_159 = arith.constant 0 : i32
      %dma_wait3A_160 = arith.constant 0 : i32
      %dma_wait3A_161 = tpu.memref_slice %arg6[%dma_wait3A_156, %dma_wait3A_158, %dma_wait3A_159, %dma_wait3A_160] : memref<2x5x128x64xf32, #tpu.memory_space<vmem>> -> memref<1x5x128x64xf32, #tpu.memory_space<vmem>>
      %dma_wait3A_162 = tpu.memref_squeeze %dma_wait3A_161 : memref<1x5x128x64xf32, #tpu.memory_space<vmem>> -> memref<5x128x64xf32, #tpu.memory_space<vmem>>
      %dma_wait3A_163 = arith.constant 0 : i32
      %dma_wait3A_164 = arith.constant 0 : i32
      %dma_wait3A_165 = tpu.memref_slice %dma_wait3A_162[%dma_wait3A_157, %dma_wait3A_163, %dma_wait3A_164] : memref<5x128x64xf32, #tpu.memory_space<vmem>> -> memref<1x128x64xf32, #tpu.memory_space<vmem>>
      %dma_wait3A_166 = tpu.memref_squeeze %dma_wait3A_165 : memref<1x128x64xf32, #tpu.memory_space<vmem>> -> memref<128x64xf32, #tpu.memory_space<vmem>>
      %dma_wait3A_167 = arith.constant 0 : i32
      %dma_wait3A_168 = tpu.memref_slice %arg5[%add3A_55, %dma_wait3A_167] : memref<40x128xi32, #tpu.memory_space<vmem>> -> memref<1x128xi32, #tpu.memory_space<vmem>>
      %dma_wait3A_169 = tpu.memref_squeeze %dma_wait3A_168 : memref<1x128xi32, #tpu.memory_space<vmem>> -> memref<128xi32, #tpu.memory_space<vmem>>
      %dma_wait3A_170 = arith.constant 0 : i32
      %dma_wait3A_171 = arith.constant 0 : i32
      %dma_wait3A_172 = tpu.memref_slice %arg2[%dma_wait3A_170, %dma_wait3A_171] : memref<100000x64xf32, #tpu.memory_space<hbm>> -> memref<100000x64xf32, #tpu.memory_space<hbm>>
      tpu.wait_indirect_dma semaphore(%arg7 : memref<!tpu.dma_semaphore, #tpu.memory_space<semaphore_mem>>) src(%dma_wait3A_172 : memref<100000x64xf32, #tpu.memory_space<hbm>>) dst(%dma_wait3A_166 : memref<128x64xf32, #tpu.memory_space<vmem>>)
      %dma_wait3A_173 = arith.constant 0 : i32
      %dma_wait3A_174 = arith.constant 1 : i32
      %dma_wait3A_175 = arith.constant 0 : i32
      %dma_wait3A_176 = arith.constant 0 : i32
      %dma_wait3A_177 = arith.constant 0 : i32
      %dma_wait3A_178 = tpu.memref_slice %arg6[%dma_wait3A_173, %dma_wait3A_175, %dma_wait3A_176, %dma_wait3A_177] : memref<2x5x128x64xf32, #tpu.memory_space<vmem>> -> memref<1x5x128x64xf32, #tpu.memory_space<vmem>>
      %dma_wait3A_179 = tpu.memref_squeeze %dma_wait3A_178 : memref<1x5x128x64xf32, #tpu.memory_space<vmem>> -> memref<5x128x64xf32, #tpu.memory_space<vmem>>
      %dma_wait3A_180 = arith.constant 0 : i32
      %dma_wait3A_181 = arith.constant 0 : i32
      %dma_wait3A_182 = tpu.memref_slice %dma_wait3A_179[%dma_wait3A_174, %dma_wait3A_180, %dma_wait3A_181] : memref<5x128x64xf32, #tpu.memory_space<vmem>> -> memref<1x128x64xf32, #tpu.memory_space<vmem>>
      %dma_wait3A_183 = tpu.memref_squeeze %dma_wait3A_182 : memref<1x128x64xf32, #tpu.memory_space<vmem>> -> memref<128x64xf32, #tpu.memory_space<vmem>>
      %dma_wait3A_184 = arith.constant 0 : i32
      %dma_wait3A_185 = tpu.memref_slice %arg5[%add3A_75, %dma_wait3A_184] : memref<40x128xi32, #tpu.memory_space<vmem>> -> memref<1x128xi32, #tpu.memory_space<vmem>>
      %dma_wait3A_186 = tpu.memref_squeeze %dma_wait3A_185 : memref<1x128xi32, #tpu.memory_space<vmem>> -> memref<128xi32, #tpu.memory_space<vmem>>
      %dma_wait3A_187 = arith.constant 0 : i32
      %dma_wait3A_188 = arith.constant 0 : i32
      %dma_wait3A_189 = tpu.memref_slice %arg2[%dma_wait3A_187, %dma_wait3A_188] : memref<100000x64xf32, #tpu.memory_space<hbm>> -> memref<100000x64xf32, #tpu.memory_space<hbm>>
      tpu.wait_indirect_dma semaphore(%arg7 : memref<!tpu.dma_semaphore, #tpu.memory_space<semaphore_mem>>) src(%dma_wait3A_189 : memref<100000x64xf32, #tpu.memory_space<hbm>>) dst(%dma_wait3A_183 : memref<128x64xf32, #tpu.memory_space<vmem>>)
      %dma_wait3A_190 = arith.constant 0 : i32
      %dma_wait3A_191 = arith.constant 2 : i32
      %dma_wait3A_192 = arith.constant 0 : i32
      %dma_wait3A_193 = arith.constant 0 : i32
      %dma_wait3A_194 = arith.constant 0 : i32
      %dma_wait3A_195 = tpu.memref_slice %arg6[%dma_wait3A_190, %dma_wait3A_192, %dma_wait3A_193, %dma_wait3A_194] : memref<2x5x128x64xf32, #tpu.memory_space<vmem>> -> memref<1x5x128x64xf32, #tpu.memory_space<vmem>>
      %dma_wait3A_196 = tpu.memref_squeeze %dma_wait3A_195 : memref<1x5x128x64xf32, #tpu.memory_space<vmem>> -> memref<5x128x64xf32, #tpu.memory_space<vmem>>
      %dma_wait3A_197 = arith.constant 0 : i32
      %dma_wait3A_198 = arith.constant 0 : i32
      %dma_wait3A_199 = tpu.memref_slice %dma_wait3A_196[%dma_wait3A_191, %dma_wait3A_197, %dma_wait3A_198] : memref<5x128x64xf32, #tpu.memory_space<vmem>> -> memref<1x128x64xf32, #tpu.memory_space<vmem>>
      %dma_wait3A_200 = tpu.memref_squeeze %dma_wait3A_199 : memref<1x128x64xf32, #tpu.memory_space<vmem>> -> memref<128x64xf32, #tpu.memory_space<vmem>>
      %dma_wait3A_201 = arith.constant 0 : i32
      %dma_wait3A_202 = tpu.memref_slice %arg5[%add3A_96, %dma_wait3A_201] : memref<40x128xi32, #tpu.memory_space<vmem>> -> memref<1x128xi32, #tpu.memory_space<vmem>>
      %dma_wait3A_203 = tpu.memref_squeeze %dma_wait3A_202 : memref<1x128xi32, #tpu.memory_space<vmem>> -> memref<128xi32, #tpu.memory_space<vmem>>
      %dma_wait3A_204 = arith.constant 0 : i32
      %dma_wait3A_205 = arith.constant 0 : i32
      %dma_wait3A_206 = tpu.memref_slice %arg2[%dma_wait3A_204, %dma_wait3A_205] : memref<100000x64xf32, #tpu.memory_space<hbm>> -> memref<100000x64xf32, #tpu.memory_space<hbm>>
      tpu.wait_indirect_dma semaphore(%arg7 : memref<!tpu.dma_semaphore, #tpu.memory_space<semaphore_mem>>) src(%dma_wait3A_206 : memref<100000x64xf32, #tpu.memory_space<hbm>>) dst(%dma_wait3A_200 : memref<128x64xf32, #tpu.memory_space<vmem>>)
      %dma_wait3A_207 = arith.constant 0 : i32
      %dma_wait3A_208 = arith.constant 3 : i32
      %dma_wait3A_209 = arith.constant 0 : i32
      %dma_wait3A_210 = arith.constant 0 : i32
      %dma_wait3A_211 = arith.constant 0 : i32
      %dma_wait3A_212 = tpu.memref_slice %arg6[%dma_wait3A_207, %dma_wait3A_209, %dma_wait3A_210, %dma_wait3A_211] : memref<2x5x128x64xf32, #tpu.memory_space<vmem>> -> memref<1x5x128x64xf32, #tpu.memory_space<vmem>>
      %dma_wait3A_213 = tpu.memref_squeeze %dma_wait3A_212 : memref<1x5x128x64xf32, #tpu.memory_space<vmem>> -> memref<5x128x64xf32, #tpu.memory_space<vmem>>
      %dma_wait3A_214 = arith.constant 0 : i32
      %dma_wait3A_215 = arith.constant 0 : i32
      %dma_wait3A_216 = tpu.memref_slice %dma_wait3A_213[%dma_wait3A_208, %dma_wait3A_214, %dma_wait3A_215] : memref<5x128x64xf32, #tpu.memory_space<vmem>> -> memref<1x128x64xf32, #tpu.memory_space<vmem>>
      %dma_wait3A_217 = tpu.memref_squeeze %dma_wait3A_216 : memref<1x128x64xf32, #tpu.memory_space<vmem>> -> memref<128x64xf32, #tpu.memory_space<vmem>>
      %dma_wait3A_218 = arith.constant 0 : i32
      %dma_wait3A_219 = tpu.memref_slice %arg5[%add3A_117, %dma_wait3A_218] : memref<40x128xi32, #tpu.memory_space<vmem>> -> memref<1x128xi32, #tpu.memory_space<vmem>>
      %dma_wait3A_220 = tpu.memref_squeeze %dma_wait3A_219 : memref<1x128xi32, #tpu.memory_space<vmem>> -> memref<128xi32, #tpu.memory_space<vmem>>
      %dma_wait3A_221 = arith.constant 0 : i32
      %dma_wait3A_222 = arith.constant 0 : i32
      %dma_wait3A_223 = tpu.memref_slice %arg2[%dma_wait3A_221, %dma_wait3A_222] : memref<100000x64xf32, #tpu.memory_space<hbm>> -> memref<100000x64xf32, #tpu.memory_space<hbm>>
      tpu.wait_indirect_dma semaphore(%arg7 : memref<!tpu.dma_semaphore, #tpu.memory_space<semaphore_mem>>) src(%dma_wait3A_223 : memref<100000x64xf32, #tpu.memory_space<hbm>>) dst(%dma_wait3A_217 : memref<128x64xf32, #tpu.memory_space<vmem>>)
      %dma_wait3A_224 = arith.constant 0 : i32
      %dma_wait3A_225 = arith.constant 4 : i32
      %dma_wait3A_226 = arith.constant 0 : i32
      %dma_wait3A_227 = arith.constant 0 : i32
      %dma_wait3A_228 = arith.constant 0 : i32
      %dma_wait3A_229 = tpu.memref_slice %arg6[%dma_wait3A_224, %dma_wait3A_226, %dma_wait3A_227, %dma_wait3A_228] : memref<2x5x128x64xf32, #tpu.memory_space<vmem>> -> memref<1x5x128x64xf32, #tpu.memory_space<vmem>>
      %dma_wait3A_230 = tpu.memref_squeeze %dma_wait3A_229 : memref<1x5x128x64xf32, #tpu.memory_space<vmem>> -> memref<5x128x64xf32, #tpu.memory_space<vmem>>
      %dma_wait3A_231 = arith.constant 0 : i32
      %dma_wait3A_232 = arith.constant 0 : i32
      %dma_wait3A_233 = tpu.memref_slice %dma_wait3A_230[%dma_wait3A_225, %dma_wait3A_231, %dma_wait3A_232] : memref<5x128x64xf32, #tpu.memory_space<vmem>> -> memref<1x128x64xf32, #tpu.memory_space<vmem>>
      %dma_wait3A_234 = tpu.memref_squeeze %dma_wait3A_233 : memref<1x128x64xf32, #tpu.memory_space<vmem>> -> memref<128x64xf32, #tpu.memory_space<vmem>>
      %dma_wait3A_235 = arith.constant 0 : i32
      %dma_wait3A_236 = tpu.memref_slice %arg5[%add3A_138, %dma_wait3A_235] : memref<40x128xi32, #tpu.memory_space<vmem>> -> memref<1x128xi32, #tpu.memory_space<vmem>>
      %dma_wait3A_237 = tpu.memref_squeeze %dma_wait3A_236 : memref<1x128xi32, #tpu.memory_space<vmem>> -> memref<128xi32, #tpu.memory_space<vmem>>
      %dma_wait3A_238 = arith.constant 0 : i32
      %dma_wait3A_239 = arith.constant 0 : i32
      %dma_wait3A_240 = tpu.memref_slice %arg2[%dma_wait3A_238, %dma_wait3A_239] : memref<100000x64xf32, #tpu.memory_space<hbm>> -> memref<100000x64xf32, #tpu.memory_space<hbm>>
      tpu.wait_indirect_dma semaphore(%arg7 : memref<!tpu.dma_semaphore, #tpu.memory_space<semaphore_mem>>) src(%dma_wait3A_240 : memref<100000x64xf32, #tpu.memory_space<hbm>>) dst(%dma_wait3A_234 : memref<128x64xf32, #tpu.memory_space<vmem>>)
      %mul3A_241 = arith.constant 5 : i32
      %mul3A_242 = arith.muli %add3A_49, %mul3A_241 : i32
      %add3A_243 = arith.addi %mul3A_2, %mul3A_242 : i32
      %dma_start3A_244 = arith.constant 0 : i32
      %dma_start3A_245 = arith.constant 0 : i32
      %dma_start3A_246 = arith.constant 0 : i32
      %dma_start3A_247 = arith.constant 0 : i32
      %dma_start3A_248 = tpu.memref_slice %arg6[%dma_start3A_244, %dma_start3A_245, %dma_start3A_246, %dma_start3A_247] : memref<2x5x128x64xf32, #tpu.memory_space<vmem>> -> memref<1x5x128x64xf32, #tpu.memory_space<vmem>>
      %dma_start3A_249 = tpu.memref_squeeze %dma_start3A_248 : memref<1x5x128x64xf32, #tpu.memory_space<vmem>> -> memref<5x128x64xf32, #tpu.memory_space<vmem>>
      %dma_start3A_250 = arith.constant 0 : i32
      %dma_start3A_251 = arith.constant 0 : i32
      %dma_start3A_252 = tpu.memref_slice %arg4[%add3A_243, %dma_start3A_250, %dma_start3A_251] : memref<1280x128x64xf32, #tpu.memory_space<hbm>> -> memref<5x128x64xf32, #tpu.memory_space<hbm>>
      %dma_start3A_253 = arith.constant 0 : i32
      %dma_start3A_254 = arith.constant 0 : i32
      %dma_start3A_255 = tpu.memref_slice %arg4[%add3A_243, %dma_start3A_253, %dma_start3A_254] : memref<1280x128x64xf32, #tpu.memory_space<hbm>> -> memref<5x128x64xf32, #tpu.memory_space<hbm>>
      %dma_start3A_256 = arith.constant 0 : i32
      %dma_start3A_257 = arith.constant 0 : i32
      %dma_start3A_258 = arith.constant 0 : i32
      %dma_start3A_259 = tpu.memref_slice %arg6[%dma_start3A_244, %dma_start3A_256, %dma_start3A_257, %dma_start3A_258] : memref<2x5x128x64xf32, #tpu.memory_space<vmem>> -> memref<1x5x128x64xf32, #tpu.memory_space<vmem>>
      %dma_start3A_260 = tpu.memref_squeeze %dma_start3A_259 : memref<1x5x128x64xf32, #tpu.memory_space<vmem>> -> memref<5x128x64xf32, #tpu.memory_space<vmem>>
      tpu.enqueue_dma source(%dma_start3A_260 : memref<5x128x64xf32, #tpu.memory_space<vmem>>) target(%dma_start3A_255 : memref<5x128x64xf32, #tpu.memory_space<hbm>>) target_semaphore(%arg8 : memref<!tpu.dma_semaphore, #tpu.memory_space<semaphore_mem>>)
      %mul3A_261 = arith.constant 2 : i32
      %mul3A_262 = arith.muli %scan3A_45, %mul3A_261 : i32
      %add3A_263 = arith.constant 1 : i32
      %add3A_264 = arith.addi %mul3A_262, %add3A_263 : i32
      %ge3A_265 = arith.constant 2 : i32
      %ge3A_266 = arith.cmpi sge, %add3A_264, %ge3A_265 : i32
      %convert_element_type3A_267 = arith.extui %ge3A_266 : i1 to i32
      %cond3A_268 = arith.constant 0 : i32
      %cond3A_269 = arith.cmpi ne, %convert_element_type3A_267, %cond3A_268 : i32
      scf.if %cond3A_269 {
        %sub3A = arith.constant 2 : i32
        %sub3A_480 = arith.subi %add3A_264, %sub3A : i32
        %mul3A_481 = arith.constant 5 : i32
        %mul3A_482 = arith.muli %sub3A_480, %mul3A_481 : i32
        %add3A_483 = arith.addi %mul3A_2, %mul3A_482 : i32
        %dma_wait3A_484 = arith.constant 1 : i32
        %dma_wait3A_485 = arith.constant 0 : i32
        %dma_wait3A_486 = arith.constant 0 : i32
        %dma_wait3A_487 = arith.constant 0 : i32
        %dma_wait3A_488 = tpu.memref_slice %arg6[%dma_wait3A_484, %dma_wait3A_485, %dma_wait3A_486, %dma_wait3A_487] : memref<2x5x128x64xf32, #tpu.memory_space<vmem>> -> memref<1x5x128x64xf32, #tpu.memory_space<vmem>>
        %dma_wait3A_489 = tpu.memref_squeeze %dma_wait3A_488 : memref<1x5x128x64xf32, #tpu.memory_space<vmem>> -> memref<5x128x64xf32, #tpu.memory_space<vmem>>
        %dma_wait3A_490 = arith.constant 0 : i32
        %dma_wait3A_491 = arith.constant 0 : i32
        %dma_wait3A_492 = tpu.memref_slice %arg4[%add3A_483, %dma_wait3A_490, %dma_wait3A_491] : memref<1280x128x64xf32, #tpu.memory_space<hbm>> -> memref<5x128x64xf32, #tpu.memory_space<hbm>>
        %dma_wait3A_493 = arith.constant 0 : i32
        %dma_wait3A_494 = arith.constant 0 : i32
        %dma_wait3A_495 = tpu.memref_slice %arg4[%add3A_483, %dma_wait3A_493, %dma_wait3A_494] : memref<1280x128x64xf32, #tpu.memory_space<hbm>> -> memref<5x128x64xf32, #tpu.memory_space<hbm>>
        %dma_wait3A_496 = arith.constant 0 : i32
        %dma_wait3A_497 = arith.constant 0 : i32
        %dma_wait3A_498 = arith.constant 0 : i32
        %dma_wait3A_499 = tpu.memref_slice %arg6[%dma_wait3A_484, %dma_wait3A_496, %dma_wait3A_497, %dma_wait3A_498] : memref<2x5x128x64xf32, #tpu.memory_space<vmem>> -> memref<1x5x128x64xf32, #tpu.memory_space<vmem>>
        %dma_wait3A_500 = tpu.memref_squeeze %dma_wait3A_499 : memref<1x5x128x64xf32, #tpu.memory_space<vmem>> -> memref<5x128x64xf32, #tpu.memory_space<vmem>>
        tpu.wait_dma2 semaphore(%arg8 : memref<!tpu.dma_semaphore, #tpu.memory_space<semaphore_mem>>) src(%dma_wait3A_500 : memref<5x128x64xf32, #tpu.memory_space<vmem>>) dst(%dma_wait3A_495 : memref<5x128x64xf32, #tpu.memory_space<hbm>>)
      } else {
      }
      %mul3A_270 = arith.constant 5 : i32
      %mul3A_271 = arith.muli %add3A_264, %mul3A_270 : i32
      %add3A_272 = arith.constant 0 : i32
      %add3A_273 = arith.addi %mul3A_271, %add3A_272 : i32
      %dma_start3A_274 = arith.constant 1 : i32
      %dma_start3A_275 = arith.constant 0 : i32
      %dma_start3A_276 = arith.constant 0 : i32
      %dma_start3A_277 = arith.constant 0 : i32
      %dma_start3A_278 = arith.constant 0 : i32
      %dma_start3A_279 = tpu.memref_slice %arg6[%dma_start3A_274, %dma_start3A_276, %dma_start3A_277, %dma_start3A_278] : memref<2x5x128x64xf32, #tpu.memory_space<vmem>> -> memref<1x5x128x64xf32, #tpu.memory_space<vmem>>
      %dma_start3A_280 = tpu.memref_squeeze %dma_start3A_279 : memref<1x5x128x64xf32, #tpu.memory_space<vmem>> -> memref<5x128x64xf32, #tpu.memory_space<vmem>>
      %dma_start3A_281 = arith.constant 0 : i32
      %dma_start3A_282 = arith.constant 0 : i32
      %dma_start3A_283 = tpu.memref_slice %dma_start3A_280[%dma_start3A_275, %dma_start3A_281, %dma_start3A_282] : memref<5x128x64xf32, #tpu.memory_space<vmem>> -> memref<1x128x64xf32, #tpu.memory_space<vmem>>
      %dma_start3A_284 = tpu.memref_squeeze %dma_start3A_283 : memref<1x128x64xf32, #tpu.memory_space<vmem>> -> memref<128x64xf32, #tpu.memory_space<vmem>>
      %dma_start3A_285 = arith.constant 0 : i32
      %dma_start3A_286 = tpu.memref_slice %arg5[%add3A_273, %dma_start3A_285] : memref<40x128xi32, #tpu.memory_space<vmem>> -> memref<1x128xi32, #tpu.memory_space<vmem>>
      %dma_start3A_287 = tpu.memref_squeeze %dma_start3A_286 : memref<1x128xi32, #tpu.memory_space<vmem>> -> memref<128xi32, #tpu.memory_space<vmem>>
      %dma_start3A_288 = arith.constant 0 : i32
      %dma_start3A_289 = arith.constant 0 : i32
      %dma_start3A_290 = tpu.memref_slice %arg2[%dma_start3A_288, %dma_start3A_289] : memref<100000x64xf32, #tpu.memory_space<hbm>> -> memref<100000x64xf32, #tpu.memory_space<hbm>>
      tpu.enqueue_indirect_dma source(%dma_start3A_290 : memref<100000x64xf32, #tpu.memory_space<hbm>>) target(%dma_start3A_284 : memref<128x64xf32, #tpu.memory_space<vmem>>) offsets(%dma_start3A_287 : memref<128xi32, #tpu.memory_space<vmem>>) semaphore(%arg7 : memref<!tpu.dma_semaphore, #tpu.memory_space<semaphore_mem>>)
      %mul3A_291 = arith.constant 5 : i32
      %mul3A_292 = arith.muli %add3A_264, %mul3A_291 : i32
      %add3A_293 = arith.constant 1 : i32
      %add3A_294 = arith.addi %mul3A_292, %add3A_293 : i32
      %dma_start3A_295 = arith.constant 1 : i32
      %dma_start3A_296 = arith.constant 1 : i32
      %dma_start3A_297 = arith.constant 0 : i32
      %dma_start3A_298 = arith.constant 0 : i32
      %dma_start3A_299 = arith.constant 0 : i32
      %dma_start3A_300 = tpu.memref_slice %arg6[%dma_start3A_295, %dma_start3A_297, %dma_start3A_298, %dma_start3A_299] : memref<2x5x128x64xf32, #tpu.memory_space<vmem>> -> memref<1x5x128x64xf32, #tpu.memory_space<vmem>>
      %dma_start3A_301 = tpu.memref_squeeze %dma_start3A_300 : memref<1x5x128x64xf32, #tpu.memory_space<vmem>> -> memref<5x128x64xf32, #tpu.memory_space<vmem>>
      %dma_start3A_302 = arith.constant 0 : i32
      %dma_start3A_303 = arith.constant 0 : i32
      %dma_start3A_304 = tpu.memref_slice %dma_start3A_301[%dma_start3A_296, %dma_start3A_302, %dma_start3A_303] : memref<5x128x64xf32, #tpu.memory_space<vmem>> -> memref<1x128x64xf32, #tpu.memory_space<vmem>>
      %dma_start3A_305 = tpu.memref_squeeze %dma_start3A_304 : memref<1x128x64xf32, #tpu.memory_space<vmem>> -> memref<128x64xf32, #tpu.memory_space<vmem>>
      %dma_start3A_306 = arith.constant 0 : i32
      %dma_start3A_307 = tpu.memref_slice %arg5[%add3A_294, %dma_start3A_306] : memref<40x128xi32, #tpu.memory_space<vmem>> -> memref<1x128xi32, #tpu.memory_space<vmem>>
      %dma_start3A_308 = tpu.memref_squeeze %dma_start3A_307 : memref<1x128xi32, #tpu.memory_space<vmem>> -> memref<128xi32, #tpu.memory_space<vmem>>
      %dma_start3A_309 = arith.constant 0 : i32
      %dma_start3A_310 = arith.constant 0 : i32
      %dma_start3A_311 = tpu.memref_slice %arg2[%dma_start3A_309, %dma_start3A_310] : memref<100000x64xf32, #tpu.memory_space<hbm>> -> memref<100000x64xf32, #tpu.memory_space<hbm>>
      tpu.enqueue_indirect_dma source(%dma_start3A_311 : memref<100000x64xf32, #tpu.memory_space<hbm>>) target(%dma_start3A_305 : memref<128x64xf32, #tpu.memory_space<vmem>>) offsets(%dma_start3A_308 : memref<128xi32, #tpu.memory_space<vmem>>) semaphore(%arg7 : memref<!tpu.dma_semaphore, #tpu.memory_space<semaphore_mem>>)
      %mul3A_312 = arith.constant 5 : i32
      %mul3A_313 = arith.muli %add3A_264, %mul3A_312 : i32
      %add3A_314 = arith.constant 2 : i32
      %add3A_315 = arith.addi %mul3A_313, %add3A_314 : i32
      %dma_start3A_316 = arith.constant 1 : i32
      %dma_start3A_317 = arith.constant 2 : i32
      %dma_start3A_318 = arith.constant 0 : i32
      %dma_start3A_319 = arith.constant 0 : i32
      %dma_start3A_320 = arith.constant 0 : i32
      %dma_start3A_321 = tpu.memref_slice %arg6[%dma_start3A_316, %dma_start3A_318, %dma_start3A_319, %dma_start3A_320] : memref<2x5x128x64xf32, #tpu.memory_space<vmem>> -> memref<1x5x128x64xf32, #tpu.memory_space<vmem>>
      %dma_start3A_322 = tpu.memref_squeeze %dma_start3A_321 : memref<1x5x128x64xf32, #tpu.memory_space<vmem>> -> memref<5x128x64xf32, #tpu.memory_space<vmem>>
      %dma_start3A_323 = arith.constant 0 : i32
      %dma_start3A_324 = arith.constant 0 : i32
      %dma_start3A_325 = tpu.memref_slice %dma_start3A_322[%dma_start3A_317, %dma_start3A_323, %dma_start3A_324] : memref<5x128x64xf32, #tpu.memory_space<vmem>> -> memref<1x128x64xf32, #tpu.memory_space<vmem>>
      %dma_start3A_326 = tpu.memref_squeeze %dma_start3A_325 : memref<1x128x64xf32, #tpu.memory_space<vmem>> -> memref<128x64xf32, #tpu.memory_space<vmem>>
      %dma_start3A_327 = arith.constant 0 : i32
      %dma_start3A_328 = tpu.memref_slice %arg5[%add3A_315, %dma_start3A_327] : memref<40x128xi32, #tpu.memory_space<vmem>> -> memref<1x128xi32, #tpu.memory_space<vmem>>
      %dma_start3A_329 = tpu.memref_squeeze %dma_start3A_328 : memref<1x128xi32, #tpu.memory_space<vmem>> -> memref<128xi32, #tpu.memory_space<vmem>>
      %dma_start3A_330 = arith.constant 0 : i32
      %dma_start3A_331 = arith.constant 0 : i32
      %dma_start3A_332 = tpu.memref_slice %arg2[%dma_start3A_330, %dma_start3A_331] : memref<100000x64xf32, #tpu.memory_space<hbm>> -> memref<100000x64xf32, #tpu.memory_space<hbm>>
      tpu.enqueue_indirect_dma source(%dma_start3A_332 : memref<100000x64xf32, #tpu.memory_space<hbm>>) target(%dma_start3A_326 : memref<128x64xf32, #tpu.memory_space<vmem>>) offsets(%dma_start3A_329 : memref<128xi32, #tpu.memory_space<vmem>>) semaphore(%arg7 : memref<!tpu.dma_semaphore, #tpu.memory_space<semaphore_mem>>)
      %mul3A_333 = arith.constant 5 : i32
      %mul3A_334 = arith.muli %add3A_264, %mul3A_333 : i32
      %add3A_335 = arith.constant 3 : i32
      %add3A_336 = arith.addi %mul3A_334, %add3A_335 : i32
      %dma_start3A_337 = arith.constant 1 : i32
      %dma_start3A_338 = arith.constant 3 : i32
      %dma_start3A_339 = arith.constant 0 : i32
      %dma_start3A_340 = arith.constant 0 : i32
      %dma_start3A_341 = arith.constant 0 : i32
      %dma_start3A_342 = tpu.memref_slice %arg6[%dma_start3A_337, %dma_start3A_339, %dma_start3A_340, %dma_start3A_341] : memref<2x5x128x64xf32, #tpu.memory_space<vmem>> -> memref<1x5x128x64xf32, #tpu.memory_space<vmem>>
      %dma_start3A_343 = tpu.memref_squeeze %dma_start3A_342 : memref<1x5x128x64xf32, #tpu.memory_space<vmem>> -> memref<5x128x64xf32, #tpu.memory_space<vmem>>
      %dma_start3A_344 = arith.constant 0 : i32
      %dma_start3A_345 = arith.constant 0 : i32
      %dma_start3A_346 = tpu.memref_slice %dma_start3A_343[%dma_start3A_338, %dma_start3A_344, %dma_start3A_345] : memref<5x128x64xf32, #tpu.memory_space<vmem>> -> memref<1x128x64xf32, #tpu.memory_space<vmem>>
      %dma_start3A_347 = tpu.memref_squeeze %dma_start3A_346 : memref<1x128x64xf32, #tpu.memory_space<vmem>> -> memref<128x64xf32, #tpu.memory_space<vmem>>
      %dma_start3A_348 = arith.constant 0 : i32
      %dma_start3A_349 = tpu.memref_slice %arg5[%add3A_336, %dma_start3A_348] : memref<40x128xi32, #tpu.memory_space<vmem>> -> memref<1x128xi32, #tpu.memory_space<vmem>>
      %dma_start3A_350 = tpu.memref_squeeze %dma_start3A_349 : memref<1x128xi32, #tpu.memory_space<vmem>> -> memref<128xi32, #tpu.memory_space<vmem>>
      %dma_start3A_351 = arith.constant 0 : i32
      %dma_start3A_352 = arith.constant 0 : i32
      %dma_start3A_353 = tpu.memref_slice %arg2[%dma_start3A_351, %dma_start3A_352] : memref<100000x64xf32, #tpu.memory_space<hbm>> -> memref<100000x64xf32, #tpu.memory_space<hbm>>
      tpu.enqueue_indirect_dma source(%dma_start3A_353 : memref<100000x64xf32, #tpu.memory_space<hbm>>) target(%dma_start3A_347 : memref<128x64xf32, #tpu.memory_space<vmem>>) offsets(%dma_start3A_350 : memref<128xi32, #tpu.memory_space<vmem>>) semaphore(%arg7 : memref<!tpu.dma_semaphore, #tpu.memory_space<semaphore_mem>>)
      %mul3A_354 = arith.constant 5 : i32
      %mul3A_355 = arith.muli %add3A_264, %mul3A_354 : i32
      %add3A_356 = arith.constant 4 : i32
      %add3A_357 = arith.addi %mul3A_355, %add3A_356 : i32
      %dma_start3A_358 = arith.constant 1 : i32
      %dma_start3A_359 = arith.constant 4 : i32
      %dma_start3A_360 = arith.constant 0 : i32
      %dma_start3A_361 = arith.constant 0 : i32
      %dma_start3A_362 = arith.constant 0 : i32
      %dma_start3A_363 = tpu.memref_slice %arg6[%dma_start3A_358, %dma_start3A_360, %dma_start3A_361, %dma_start3A_362] : memref<2x5x128x64xf32, #tpu.memory_space<vmem>> -> memref<1x5x128x64xf32, #tpu.memory_space<vmem>>
      %dma_start3A_364 = tpu.memref_squeeze %dma_start3A_363 : memref<1x5x128x64xf32, #tpu.memory_space<vmem>> -> memref<5x128x64xf32, #tpu.memory_space<vmem>>
      %dma_start3A_365 = arith.constant 0 : i32
      %dma_start3A_366 = arith.constant 0 : i32
      %dma_start3A_367 = tpu.memref_slice %dma_start3A_364[%dma_start3A_359, %dma_start3A_365, %dma_start3A_366] : memref<5x128x64xf32, #tpu.memory_space<vmem>> -> memref<1x128x64xf32, #tpu.memory_space<vmem>>
      %dma_start3A_368 = tpu.memref_squeeze %dma_start3A_367 : memref<1x128x64xf32, #tpu.memory_space<vmem>> -> memref<128x64xf32, #tpu.memory_space<vmem>>
      %dma_start3A_369 = arith.constant 0 : i32
      %dma_start3A_370 = tpu.memref_slice %arg5[%add3A_357, %dma_start3A_369] : memref<40x128xi32, #tpu.memory_space<vmem>> -> memref<1x128xi32, #tpu.memory_space<vmem>>
      %dma_start3A_371 = tpu.memref_squeeze %dma_start3A_370 : memref<1x128xi32, #tpu.memory_space<vmem>> -> memref<128xi32, #tpu.memory_space<vmem>>
      %dma_start3A_372 = arith.constant 0 : i32
      %dma_start3A_373 = arith.constant 0 : i32
      %dma_start3A_374 = tpu.memref_slice %arg2[%dma_start3A_372, %dma_start3A_373] : memref<100000x64xf32, #tpu.memory_space<hbm>> -> memref<100000x64xf32, #tpu.memory_space<hbm>>
      tpu.enqueue_indirect_dma source(%dma_start3A_374 : memref<100000x64xf32, #tpu.memory_space<hbm>>) target(%dma_start3A_368 : memref<128x64xf32, #tpu.memory_space<vmem>>) offsets(%dma_start3A_371 : memref<128xi32, #tpu.memory_space<vmem>>) semaphore(%arg7 : memref<!tpu.dma_semaphore, #tpu.memory_space<semaphore_mem>>)
      %dma_wait3A_375 = arith.constant 1 : i32
      %dma_wait3A_376 = arith.constant 0 : i32
      %dma_wait3A_377 = arith.constant 0 : i32
      %dma_wait3A_378 = arith.constant 0 : i32
      %dma_wait3A_379 = arith.constant 0 : i32
      %dma_wait3A_380 = tpu.memref_slice %arg6[%dma_wait3A_375, %dma_wait3A_377, %dma_wait3A_378, %dma_wait3A_379] : memref<2x5x128x64xf32, #tpu.memory_space<vmem>> -> memref<1x5x128x64xf32, #tpu.memory_space<vmem>>
      %dma_wait3A_381 = tpu.memref_squeeze %dma_wait3A_380 : memref<1x5x128x64xf32, #tpu.memory_space<vmem>> -> memref<5x128x64xf32, #tpu.memory_space<vmem>>
      %dma_wait3A_382 = arith.constant 0 : i32
      %dma_wait3A_383 = arith.constant 0 : i32
      %dma_wait3A_384 = tpu.memref_slice %dma_wait3A_381[%dma_wait3A_376, %dma_wait3A_382, %dma_wait3A_383] : memref<5x128x64xf32, #tpu.memory_space<vmem>> -> memref<1x128x64xf32, #tpu.memory_space<vmem>>
      %dma_wait3A_385 = tpu.memref_squeeze %dma_wait3A_384 : memref<1x128x64xf32, #tpu.memory_space<vmem>> -> memref<128x64xf32, #tpu.memory_space<vmem>>
      %dma_wait3A_386 = arith.constant 0 : i32
      %dma_wait3A_387 = tpu.memref_slice %arg5[%add3A_273, %dma_wait3A_386] : memref<40x128xi32, #tpu.memory_space<vmem>> -> memref<1x128xi32, #tpu.memory_space<vmem>>
      %dma_wait3A_388 = tpu.memref_squeeze %dma_wait3A_387 : memref<1x128xi32, #tpu.memory_space<vmem>> -> memref<128xi32, #tpu.memory_space<vmem>>
      %dma_wait3A_389 = arith.constant 0 : i32
      %dma_wait3A_390 = arith.constant 0 : i32
      %dma_wait3A_391 = tpu.memref_slice %arg2[%dma_wait3A_389, %dma_wait3A_390] : memref<100000x64xf32, #tpu.memory_space<hbm>> -> memref<100000x64xf32, #tpu.memory_space<hbm>>
      tpu.wait_indirect_dma semaphore(%arg7 : memref<!tpu.dma_semaphore, #tpu.memory_space<semaphore_mem>>) src(%dma_wait3A_391 : memref<100000x64xf32, #tpu.memory_space<hbm>>) dst(%dma_wait3A_385 : memref<128x64xf32, #tpu.memory_space<vmem>>)
      %dma_wait3A_392 = arith.constant 1 : i32
      %dma_wait3A_393 = arith.constant 1 : i32
      %dma_wait3A_394 = arith.constant 0 : i32
      %dma_wait3A_395 = arith.constant 0 : i32
      %dma_wait3A_396 = arith.constant 0 : i32
      %dma_wait3A_397 = tpu.memref_slice %arg6[%dma_wait3A_392, %dma_wait3A_394, %dma_wait3A_395, %dma_wait3A_396] : memref<2x5x128x64xf32, #tpu.memory_space<vmem>> -> memref<1x5x128x64xf32, #tpu.memory_space<vmem>>
      %dma_wait3A_398 = tpu.memref_squeeze %dma_wait3A_397 : memref<1x5x128x64xf32, #tpu.memory_space<vmem>> -> memref<5x128x64xf32, #tpu.memory_space<vmem>>
      %dma_wait3A_399 = arith.constant 0 : i32
      %dma_wait3A_400 = arith.constant 0 : i32
      %dma_wait3A_401 = tpu.memref_slice %dma_wait3A_398[%dma_wait3A_393, %dma_wait3A_399, %dma_wait3A_400] : memref<5x128x64xf32, #tpu.memory_space<vmem>> -> memref<1x128x64xf32, #tpu.memory_space<vmem>>
      %dma_wait3A_402 = tpu.memref_squeeze %dma_wait3A_401 : memref<1x128x64xf32, #tpu.memory_space<vmem>> -> memref<128x64xf32, #tpu.memory_space<vmem>>
      %dma_wait3A_403 = arith.constant 0 : i32
      %dma_wait3A_404 = tpu.memref_slice %arg5[%add3A_294, %dma_wait3A_403] : memref<40x128xi32, #tpu.memory_space<vmem>> -> memref<1x128xi32, #tpu.memory_space<vmem>>
      %dma_wait3A_405 = tpu.memref_squeeze %dma_wait3A_404 : memref<1x128xi32, #tpu.memory_space<vmem>> -> memref<128xi32, #tpu.memory_space<vmem>>
      %dma_wait3A_406 = arith.constant 0 : i32
      %dma_wait3A_407 = arith.constant 0 : i32
      %dma_wait3A_408 = tpu.memref_slice %arg2[%dma_wait3A_406, %dma_wait3A_407] : memref<100000x64xf32, #tpu.memory_space<hbm>> -> memref<100000x64xf32, #tpu.memory_space<hbm>>
      tpu.wait_indirect_dma semaphore(%arg7 : memref<!tpu.dma_semaphore, #tpu.memory_space<semaphore_mem>>) src(%dma_wait3A_408 : memref<100000x64xf32, #tpu.memory_space<hbm>>) dst(%dma_wait3A_402 : memref<128x64xf32, #tpu.memory_space<vmem>>)
      %dma_wait3A_409 = arith.constant 1 : i32
      %dma_wait3A_410 = arith.constant 2 : i32
      %dma_wait3A_411 = arith.constant 0 : i32
      %dma_wait3A_412 = arith.constant 0 : i32
      %dma_wait3A_413 = arith.constant 0 : i32
      %dma_wait3A_414 = tpu.memref_slice %arg6[%dma_wait3A_409, %dma_wait3A_411, %dma_wait3A_412, %dma_wait3A_413] : memref<2x5x128x64xf32, #tpu.memory_space<vmem>> -> memref<1x5x128x64xf32, #tpu.memory_space<vmem>>
      %dma_wait3A_415 = tpu.memref_squeeze %dma_wait3A_414 : memref<1x5x128x64xf32, #tpu.memory_space<vmem>> -> memref<5x128x64xf32, #tpu.memory_space<vmem>>
      %dma_wait3A_416 = arith.constant 0 : i32
      %dma_wait3A_417 = arith.constant 0 : i32
      %dma_wait3A_418 = tpu.memref_slice %dma_wait3A_415[%dma_wait3A_410, %dma_wait3A_416, %dma_wait3A_417] : memref<5x128x64xf32, #tpu.memory_space<vmem>> -> memref<1x128x64xf32, #tpu.memory_space<vmem>>
      %dma_wait3A_419 = tpu.memref_squeeze %dma_wait3A_418 : memref<1x128x64xf32, #tpu.memory_space<vmem>> -> memref<128x64xf32, #tpu.memory_space<vmem>>
      %dma_wait3A_420 = arith.constant 0 : i32
      %dma_wait3A_421 = tpu.memref_slice %arg5[%add3A_315, %dma_wait3A_420] : memref<40x128xi32, #tpu.memory_space<vmem>> -> memref<1x128xi32, #tpu.memory_space<vmem>>
      %dma_wait3A_422 = tpu.memref_squeeze %dma_wait3A_421 : memref<1x128xi32, #tpu.memory_space<vmem>> -> memref<128xi32, #tpu.memory_space<vmem>>
      %dma_wait3A_423 = arith.constant 0 : i32
      %dma_wait3A_424 = arith.constant 0 : i32
      %dma_wait3A_425 = tpu.memref_slice %arg2[%dma_wait3A_423, %dma_wait3A_424] : memref<100000x64xf32, #tpu.memory_space<hbm>> -> memref<100000x64xf32, #tpu.memory_space<hbm>>
      tpu.wait_indirect_dma semaphore(%arg7 : memref<!tpu.dma_semaphore, #tpu.memory_space<semaphore_mem>>) src(%dma_wait3A_425 : memref<100000x64xf32, #tpu.memory_space<hbm>>) dst(%dma_wait3A_419 : memref<128x64xf32, #tpu.memory_space<vmem>>)
      %dma_wait3A_426 = arith.constant 1 : i32
      %dma_wait3A_427 = arith.constant 3 : i32
      %dma_wait3A_428 = arith.constant 0 : i32
      %dma_wait3A_429 = arith.constant 0 : i32
      %dma_wait3A_430 = arith.constant 0 : i32
      %dma_wait3A_431 = tpu.memref_slice %arg6[%dma_wait3A_426, %dma_wait3A_428, %dma_wait3A_429, %dma_wait3A_430] : memref<2x5x128x64xf32, #tpu.memory_space<vmem>> -> memref<1x5x128x64xf32, #tpu.memory_space<vmem>>
      %dma_wait3A_432 = tpu.memref_squeeze %dma_wait3A_431 : memref<1x5x128x64xf32, #tpu.memory_space<vmem>> -> memref<5x128x64xf32, #tpu.memory_space<vmem>>
      %dma_wait3A_433 = arith.constant 0 : i32
      %dma_wait3A_434 = arith.constant 0 : i32
      %dma_wait3A_435 = tpu.memref_slice %dma_wait3A_432[%dma_wait3A_427, %dma_wait3A_433, %dma_wait3A_434] : memref<5x128x64xf32, #tpu.memory_space<vmem>> -> memref<1x128x64xf32, #tpu.memory_space<vmem>>
      %dma_wait3A_436 = tpu.memref_squeeze %dma_wait3A_435 : memref<1x128x64xf32, #tpu.memory_space<vmem>> -> memref<128x64xf32, #tpu.memory_space<vmem>>
      %dma_wait3A_437 = arith.constant 0 : i32
      %dma_wait3A_438 = tpu.memref_slice %arg5[%add3A_336, %dma_wait3A_437] : memref<40x128xi32, #tpu.memory_space<vmem>> -> memref<1x128xi32, #tpu.memory_space<vmem>>
      %dma_wait3A_439 = tpu.memref_squeeze %dma_wait3A_438 : memref<1x128xi32, #tpu.memory_space<vmem>> -> memref<128xi32, #tpu.memory_space<vmem>>
      %dma_wait3A_440 = arith.constant 0 : i32
      %dma_wait3A_441 = arith.constant 0 : i32
      %dma_wait3A_442 = tpu.memref_slice %arg2[%dma_wait3A_440, %dma_wait3A_441] : memref<100000x64xf32, #tpu.memory_space<hbm>> -> memref<100000x64xf32, #tpu.memory_space<hbm>>
      tpu.wait_indirect_dma semaphore(%arg7 : memref<!tpu.dma_semaphore, #tpu.memory_space<semaphore_mem>>) src(%dma_wait3A_442 : memref<100000x64xf32, #tpu.memory_space<hbm>>) dst(%dma_wait3A_436 : memref<128x64xf32, #tpu.memory_space<vmem>>)
      %dma_wait3A_443 = arith.constant 1 : i32
      %dma_wait3A_444 = arith.constant 4 : i32
      %dma_wait3A_445 = arith.constant 0 : i32
      %dma_wait3A_446 = arith.constant 0 : i32
      %dma_wait3A_447 = arith.constant 0 : i32
      %dma_wait3A_448 = tpu.memref_slice %arg6[%dma_wait3A_443, %dma_wait3A_445, %dma_wait3A_446, %dma_wait3A_447] : memref<2x5x128x64xf32, #tpu.memory_space<vmem>> -> memref<1x5x128x64xf32, #tpu.memory_space<vmem>>
      %dma_wait3A_449 = tpu.memref_squeeze %dma_wait3A_448 : memref<1x5x128x64xf32, #tpu.memory_space<vmem>> -> memref<5x128x64xf32, #tpu.memory_space<vmem>>
      %dma_wait3A_450 = arith.constant 0 : i32
      %dma_wait3A_451 = arith.constant 0 : i32
      %dma_wait3A_452 = tpu.memref_slice %dma_wait3A_449[%dma_wait3A_444, %dma_wait3A_450, %dma_wait3A_451] : memref<5x128x64xf32, #tpu.memory_space<vmem>> -> memref<1x128x64xf32, #tpu.memory_space<vmem>>
      %dma_wait3A_453 = tpu.memref_squeeze %dma_wait3A_452 : memref<1x128x64xf32, #tpu.memory_space<vmem>> -> memref<128x64xf32, #tpu.memory_space<vmem>>
      %dma_wait3A_454 = arith.constant 0 : i32
      %dma_wait3A_455 = tpu.memref_slice %arg5[%add3A_357, %dma_wait3A_454] : memref<40x128xi32, #tpu.memory_space<vmem>> -> memref<1x128xi32, #tpu.memory_space<vmem>>
      %dma_wait3A_456 = tpu.memref_squeeze %dma_wait3A_455 : memref<1x128xi32, #tpu.memory_space<vmem>> -> memref<128xi32, #tpu.memory_space<vmem>>
      %dma_wait3A_457 = arith.constant 0 : i32
      %dma_wait3A_458 = arith.constant 0 : i32
      %dma_wait3A_459 = tpu.memref_slice %arg2[%dma_wait3A_457, %dma_wait3A_458] : memref<100000x64xf32, #tpu.memory_space<hbm>> -> memref<100000x64xf32, #tpu.memory_space<hbm>>
      tpu.wait_indirect_dma semaphore(%arg7 : memref<!tpu.dma_semaphore, #tpu.memory_space<semaphore_mem>>) src(%dma_wait3A_459 : memref<100000x64xf32, #tpu.memory_space<hbm>>) dst(%dma_wait3A_453 : memref<128x64xf32, #tpu.memory_space<vmem>>)
      %mul3A_460 = arith.constant 5 : i32
      %mul3A_461 = arith.muli %add3A_264, %mul3A_460 : i32
      %add3A_462 = arith.addi %mul3A_2, %mul3A_461 : i32
      %dma_start3A_463 = arith.constant 1 : i32
      %dma_start3A_464 = arith.constant 0 : i32
      %dma_start3A_465 = arith.constant 0 : i32
      %dma_start3A_466 = arith.constant 0 : i32
      %dma_start3A_467 = tpu.memref_slice %arg6[%dma_start3A_463, %dma_start3A_464, %dma_start3A_465, %dma_start3A_466] : memref<2x5x128x64xf32, #tpu.memory_space<vmem>> -> memref<1x5x128x64xf32, #tpu.memory_space<vmem>>
      %dma_start3A_468 = tpu.memref_squeeze %dma_start3A_467 : memref<1x5x128x64xf32, #tpu.memory_space<vmem>> -> memref<5x128x64xf32, #tpu.memory_space<vmem>>
      %dma_start3A_469 = arith.constant 0 : i32
      %dma_start3A_470 = arith.constant 0 : i32
      %dma_start3A_471 = tpu.memref_slice %arg4[%add3A_462, %dma_start3A_469, %dma_start3A_470] : memref<1280x128x64xf32, #tpu.memory_space<hbm>> -> memref<5x128x64xf32, #tpu.memory_space<hbm>>
      %dma_start3A_472 = arith.constant 0 : i32
      %dma_start3A_473 = arith.constant 0 : i32
      %dma_start3A_474 = tpu.memref_slice %arg4[%add3A_462, %dma_start3A_472, %dma_start3A_473] : memref<1280x128x64xf32, #tpu.memory_space<hbm>> -> memref<5x128x64xf32, #tpu.memory_space<hbm>>
      %dma_start3A_475 = arith.constant 0 : i32
      %dma_start3A_476 = arith.constant 0 : i32
      %dma_start3A_477 = arith.constant 0 : i32
      %dma_start3A_478 = tpu.memref_slice %arg6[%dma_start3A_463, %dma_start3A_475, %dma_start3A_476, %dma_start3A_477] : memref<2x5x128x64xf32, #tpu.memory_space<vmem>> -> memref<1x5x128x64xf32, #tpu.memory_space<vmem>>
      %dma_start3A_479 = tpu.memref_squeeze %dma_start3A_478 : memref<1x5x128x64xf32, #tpu.memory_space<vmem>> -> memref<5x128x64xf32, #tpu.memory_space<vmem>>
      tpu.enqueue_dma source(%dma_start3A_479 : memref<5x128x64xf32, #tpu.memory_space<vmem>>) target(%dma_start3A_474 : memref<5x128x64xf32, #tpu.memory_space<hbm>>) target_semaphore(%arg8 : memref<!tpu.dma_semaphore, #tpu.memory_space<semaphore_mem>>)
    }
    %scan3A_7 = arith.constant 4 : i32
    %add3A_8 = arith.constant 0 : i32
    %add3A_9 = arith.addi %mul3A_2, %add3A_8 : i32
    %dma_wait3A = arith.constant 0 : i32
    %dma_wait3A_10 = arith.constant 0 : i32
    %dma_wait3A_11 = arith.constant 0 : i32
    %dma_wait3A_12 = arith.constant 0 : i32
    %dma_wait3A_13 = tpu.memref_slice %arg6[%dma_wait3A, %dma_wait3A_10, %dma_wait3A_11, %dma_wait3A_12] : memref<2x5x128x64xf32, #tpu.memory_space<vmem>> -> memref<1x5x128x64xf32, #tpu.memory_space<vmem>>
    %dma_wait3A_14 = tpu.memref_squeeze %dma_wait3A_13 : memref<1x5x128x64xf32, #tpu.memory_space<vmem>> -> memref<5x128x64xf32, #tpu.memory_space<vmem>>
    %dma_wait3A_15 = arith.constant 0 : i32
    %dma_wait3A_16 = arith.constant 0 : i32
    %dma_wait3A_17 = tpu.memref_slice %arg4[%add3A_9, %dma_wait3A_15, %dma_wait3A_16] : memref<1280x128x64xf32, #tpu.memory_space<hbm>> -> memref<5x128x64xf32, #tpu.memory_space<hbm>>
    %dma_wait3A_18 = arith.constant 0 : i32
    %dma_wait3A_19 = arith.constant 0 : i32
    %dma_wait3A_20 = tpu.memref_slice %arg4[%add3A_9, %dma_wait3A_18, %dma_wait3A_19] : memref<1280x128x64xf32, #tpu.memory_space<hbm>> -> memref<5x128x64xf32, #tpu.memory_space<hbm>>
    %dma_wait3A_21 = arith.constant 0 : i32
    %dma_wait3A_22 = arith.constant 0 : i32
    %dma_wait3A_23 = arith.constant 0 : i32
    %dma_wait3A_24 = tpu.memref_slice %arg6[%dma_wait3A, %dma_wait3A_21, %dma_wait3A_22, %dma_wait3A_23] : memref<2x5x128x64xf32, #tpu.memory_space<vmem>> -> memref<1x5x128x64xf32, #tpu.memory_space<vmem>>
    %dma_wait3A_25 = tpu.memref_squeeze %dma_wait3A_24 : memref<1x5x128x64xf32, #tpu.memory_space<vmem>> -> memref<5x128x64xf32, #tpu.memory_space<vmem>>
    tpu.wait_dma2 semaphore(%arg8 : memref<!tpu.dma_semaphore, #tpu.memory_space<semaphore_mem>>) src(%dma_wait3A_25 : memref<5x128x64xf32, #tpu.memory_space<vmem>>) dst(%dma_wait3A_20 : memref<5x128x64xf32, #tpu.memory_space<hbm>>)
    %add3A_26 = arith.constant 5 : i32
    %add3A_27 = arith.addi %mul3A_2, %add3A_26 : i32
    %dma_wait3A_28 = arith.constant 1 : i32
    %dma_wait3A_29 = arith.constant 0 : i32
    %dma_wait3A_30 = arith.constant 0 : i32
    %dma_wait3A_31 = arith.constant 0 : i32
    %dma_wait3A_32 = tpu.memref_slice %arg6[%dma_wait3A_28, %dma_wait3A_29, %dma_wait3A_30, %dma_wait3A_31] : memref<2x5x128x64xf32, #tpu.memory_space<vmem>> -> memref<1x5x128x64xf32, #tpu.memory_space<vmem>>
    %dma_wait3A_33 = tpu.memref_squeeze %dma_wait3A_32 : memref<1x5x128x64xf32, #tpu.memory_space<vmem>> -> memref<5x128x64xf32, #tpu.memory_space<vmem>>
    %dma_wait3A_34 = arith.constant 0 : i32
    %dma_wait3A_35 = arith.constant 0 : i32
    %dma_wait3A_36 = tpu.memref_slice %arg4[%add3A_27, %dma_wait3A_34, %dma_wait3A_35] : memref<1280x128x64xf32, #tpu.memory_space<hbm>> -> memref<5x128x64xf32, #tpu.memory_space<hbm>>
    %dma_wait3A_37 = arith.constant 0 : i32
    %dma_wait3A_38 = arith.constant 0 : i32
    %dma_wait3A_39 = tpu.memref_slice %arg4[%add3A_27, %dma_wait3A_37, %dma_wait3A_38] : memref<1280x128x64xf32, #tpu.memory_space<hbm>> -> memref<5x128x64xf32, #tpu.memory_space<hbm>>
    %dma_wait3A_40 = arith.constant 0 : i32
    %dma_wait3A_41 = arith.constant 0 : i32
    %dma_wait3A_42 = arith.constant 0 : i32
    %dma_wait3A_43 = tpu.memref_slice %arg6[%dma_wait3A_28, %dma_wait3A_40, %dma_wait3A_41, %dma_wait3A_42] : memref<2x5x128x64xf32, #tpu.memory_space<vmem>> -> memref<1x5x128x64xf32, #tpu.memory_space<vmem>>
    %dma_wait3A_44 = tpu.memref_squeeze %dma_wait3A_43 : memref<1x5x128x64xf32, #tpu.memory_space<vmem>> -> memref<5x128x64xf32, #tpu.memory_space<vmem>>
    tpu.wait_dma2 semaphore(%arg8 : memref<!tpu.dma_semaphore, #tpu.memory_space<semaphore_mem>>) src(%dma_wait3A_44 : memref<5x128x64xf32, #tpu.memory_space<vmem>>) dst(%dma_wait3A_39 : memref<5x128x64xf32, #tpu.memory_space<hbm>>)
    return
  }
}

#map = affine_map<(d0, d1) -> (0, 0)>
#map1 = affine_map<(d0, d1) -> (0, 0, 0)>
module attributes {stable_mosaic.version = 14 : i64} {
  func.func @k(%arg0: i32, %arg1: i32, %arg2: memref<100000x64xf32, #tpu.memory_space<hbm>>, %arg3: memref<32x40x128xi32, #tpu.memory_space<hbm>>, %arg4: memref<1280x128x64xf32, #tpu.memory_space<hbm>>, %arg5: memref<40x128xi32, #tpu.memory_space<vmem>>, %arg6: memref<2x5x128x64xf32, #tpu.memory_space<vmem>>, %arg7: memref<!tpu.dma_semaphore, #tpu.memory_space<semaphore_mem>>, %arg8: memref<!tpu.dma_semaphore, #tpu.memory_space<semaphore_mem>>) attributes {dimension_semantics = [#tpu.dimension_semantics<core_parallel>, #tpu.dimension_semantics<subcore_parallel>], iteration_bounds = array<i64: 2, 16>, scalar_prefetch = 0 : i64, scratch_operands = 4 : i64, tpu.core_type = #tpu.core_type<sc_vector_subcore>, window_params = [{transform_indices = #map}, {transform_indices = #map1}, {transform_indices = #map1}]} {
    %mul3A = arith.constant 2 : i32
    %mul3A_0 = arith.muli %arg1, %mul3A : i32
    %add3A = arith.addi %mul3A_0, %arg0 : i32
    "tpu.region"() ({
      %run_scoped3A = tpu.sem_alloc : memref<!tpu.dma_semaphore, #tpu.memory_space<semaphore_mem>>
      %dma_start3A = arith.constant 0 : i32
      %dma_start3A_45 = arith.constant 0 : i32
      %dma_start3A_46 = tpu.memref_slice %arg3[%add3A, %dma_start3A, %dma_start3A_45] : memref<32x40x128xi32, #tpu.memory_space<hbm>> -> memref<1x40x128xi32, #tpu.memory_space<hbm>>
      %dma_start3A_47 = tpu.memref_squeeze %dma_start3A_46 : memref<1x40x128xi32, #tpu.memory_space<hbm>> -> memref<40x128xi32, #tpu.memory_space<hbm>>
      %dma_start3A_48 = arith.constant 0 : i32
      %dma_start3A_49 = arith.constant 0 : i32
      %dma_start3A_50 = tpu.memref_slice %arg3[%add3A, %dma_start3A_48, %dma_start3A_49] : memref<32x40x128xi32, #tpu.memory_space<hbm>> -> memref<1x40x128xi32, #tpu.memory_space<hbm>>
      %dma_start3A_51 = tpu.memref_squeeze %dma_start3A_50 : memref<1x40x128xi32, #tpu.memory_space<hbm>> -> memref<40x128xi32, #tpu.memory_space<hbm>>
      tpu.enqueue_dma source(%dma_start3A_51 : memref<40x128xi32, #tpu.memory_space<hbm>>) target(%arg5 : memref<40x128xi32, #tpu.memory_space<vmem>>) target_semaphore(%run_scoped3A : memref<!tpu.dma_semaphore, #tpu.memory_space<semaphore_mem>>)
      %dma_wait3A_52 = arith.constant 0 : i32
      %dma_wait3A_53 = arith.constant 0 : i32
      %dma_wait3A_54 = tpu.memref_slice %arg3[%add3A, %dma_wait3A_52, %dma_wait3A_53] : memref<32x40x128xi32, #tpu.memory_space<hbm>> -> memref<1x40x128xi32, #tpu.memory_space<hbm>>
      %dma_wait3A_55 = tpu.memref_squeeze %dma_wait3A_54 : memref<1x40x128xi32, #tpu.memory_space<hbm>> -> memref<40x128xi32, #tpu.memory_space<hbm>>
      %dma_wait3A_56 = arith.constant 0 : i32
      %dma_wait3A_57 = arith.constant 0 : i32
      %dma_wait3A_58 = tpu.memref_slice %arg3[%add3A, %dma_wait3A_56, %dma_wait3A_57] : memref<32x40x128xi32, #tpu.memory_space<hbm>> -> memref<1x40x128xi32, #tpu.memory_space<hbm>>
      %dma_wait3A_59 = tpu.memref_squeeze %dma_wait3A_58 : memref<1x40x128xi32, #tpu.memory_space<hbm>> -> memref<40x128xi32, #tpu.memory_space<hbm>>
      tpu.wait_dma2 semaphore(%run_scoped3A : memref<!tpu.dma_semaphore, #tpu.memory_space<semaphore_mem>>) src(%dma_wait3A_59 : memref<40x128xi32, #tpu.memory_space<hbm>>) dst(%arg5 : memref<40x128xi32, #tpu.memory_space<vmem>>)
      tpu.yield
    }) : () -> ()
    %mul3A_1 = arith.constant 40 : i32
    %mul3A_2 = arith.muli %add3A, %mul3A_1 : i32
    %scan3A = arith.constant 0 : i32
    %scan3A_3 = arith.constant 0 : i32
    %scan3A_4 = arith.constant 4 : i32
    %scan3A_5 = arith.addi %scan3A_3, %scan3A_4 : i32
    %scan3A_6 = arith.constant 1 : i32
    scf.for %scan3A_45 = %scan3A_3 to %scan3A_5 step %scan3A_6  : i32 {
      %mul3A_46 = arith.constant 2 : i32
      %mul3A_47 = arith.muli %scan3A_45, %mul3A_46 : i32
      %add3A_48 = arith.constant 0 : i32
      %add3A_49 = arith.addi %mul3A_47, %add3A_48 : i32
      %ge3A = arith.constant 2 : i32
      %ge3A_50 = arith.cmpi sge, %add3A_49, %ge3A : i32
      %convert_element_type3A = arith.extui %ge3A_50 : i1 to i32
      %cond3A = arith.constant 0 : i32
      %cond3A_51 = arith.cmpi ne, %convert_element_type3A, %cond3A : i32
      scf.if %cond3A_51 {
        %sub3A = arith.constant 2 : i32
        %sub3A_480 = arith.subi %add3A_49, %sub3A : i32
        %mul3A_481 = arith.constant 5 : i32
        %mul3A_482 = arith.muli %sub3A_480, %mul3A_481 : i32
        %add3A_483 = arith.addi %mul3A_2, %mul3A_482 : i32
        %dma_wait3A_484 = arith.constant 0 : i32
        %dma_wait3A_485 = arith.constant 0 : i32
        %dma_wait3A_486 = arith.constant 0 : i32
        %dma_wait3A_487 = arith.constant 0 : i32
        %dma_wait3A_488 = tpu.memref_slice %arg6[%dma_wait3A_484, %dma_wait3A_485, %dma_wait3A_486, %dma_wait3A_487] : memref<2x5x128x64xf32, #tpu.memory_space<vmem>> -> memref<1x5x128x64xf32, #tpu.memory_space<vmem>>
        %dma_wait3A_489 = tpu.memref_squeeze %dma_wait3A_488 : memref<1x5x128x64xf32, #tpu.memory_space<vmem>> -> memref<5x128x64xf32, #tpu.memory_space<vmem>>
        %dma_wait3A_490 = arith.constant 0 : i32
        %dma_wait3A_491 = arith.constant 0 : i32
        %dma_wait3A_492 = tpu.memref_slice %arg4[%add3A_483, %dma_wait3A_490, %dma_wait3A_491] : memref<1280x128x64xf32, #tpu.memory_space<hbm>> -> memref<5x128x64xf32, #tpu.memory_space<hbm>>
        %dma_wait3A_493 = arith.constant 0 : i32
        %dma_wait3A_494 = arith.constant 0 : i32
        %dma_wait3A_495 = tpu.memref_slice %arg4[%add3A_483, %dma_wait3A_493, %dma_wait3A_494] : memref<1280x128x64xf32, #tpu.memory_space<hbm>> -> memref<5x128x64xf32, #tpu.memory_space<hbm>>
        %dma_wait3A_496 = arith.constant 0 : i32
        %dma_wait3A_497 = arith.constant 0 : i32
        %dma_wait3A_498 = arith.constant 0 : i32
        %dma_wait3A_499 = tpu.memref_slice %arg6[%dma_wait3A_484, %dma_wait3A_496, %dma_wait3A_497, %dma_wait3A_498] : memref<2x5x128x64xf32, #tpu.memory_space<vmem>> -> memref<1x5x128x64xf32, #tpu.memory_space<vmem>>
        %dma_wait3A_500 = tpu.memref_squeeze %dma_wait3A_499 : memref<1x5x128x64xf32, #tpu.memory_space<vmem>> -> memref<5x128x64xf32, #tpu.memory_space<vmem>>
        tpu.wait_dma2 semaphore(%arg8 : memref<!tpu.dma_semaphore, #tpu.memory_space<semaphore_mem>>) src(%dma_wait3A_500 : memref<5x128x64xf32, #tpu.memory_space<vmem>>) dst(%dma_wait3A_495 : memref<5x128x64xf32, #tpu.memory_space<hbm>>)
      } else {
      }
      %mul3A_52 = arith.constant 5 : i32
      %mul3A_53 = arith.muli %add3A_49, %mul3A_52 : i32
      %add3A_54 = arith.constant 0 : i32
      %add3A_55 = arith.addi %mul3A_53, %add3A_54 : i32
      %dma_start3A = arith.constant 0 : i32
      %dma_start3A_56 = arith.constant 0 : i32
      %dma_start3A_57 = arith.constant 0 : i32
      %dma_start3A_58 = arith.constant 0 : i32
      %dma_start3A_59 = arith.constant 0 : i32
      %dma_start3A_60 = tpu.memref_slice %arg6[%dma_start3A, %dma_start3A_57, %dma_start3A_58, %dma_start3A_59] : memref<2x5x128x64xf32, #tpu.memory_space<vmem>> -> memref<1x5x128x64xf32, #tpu.memory_space<vmem>>
      %dma_start3A_61 = tpu.memref_squeeze %dma_start3A_60 : memref<1x5x128x64xf32, #tpu.memory_space<vmem>> -> memref<5x128x64xf32, #tpu.memory_space<vmem>>
      %dma_start3A_62 = arith.constant 0 : i32
      %dma_start3A_63 = arith.constant 0 : i32
      %dma_start3A_64 = tpu.memref_slice %dma_start3A_61[%dma_start3A_56, %dma_start3A_62, %dma_start3A_63] : memref<5x128x64xf32, #tpu.memory_space<vmem>> -> memref<1x128x64xf32, #tpu.memory_space<vmem>>
      %dma_start3A_65 = tpu.memref_squeeze %dma_start3A_64 : memref<1x128x64xf32, #tpu.memory_space<vmem>> -> memref<128x64xf32, #tpu.memory_space<vmem>>
      %dma_start3A_66 = arith.constant 0 : i32
      %dma_start3A_67 = tpu.memref_slice %arg5[%add3A_55, %dma_start3A_66] : memref<40x128xi32, #tpu.memory_space<vmem>> -> memref<1x128xi32, #tpu.memory_space<vmem>>
      %dma_start3A_68 = tpu.memref_squeeze %dma_start3A_67 : memref<1x128xi32, #tpu.memory_space<vmem>> -> memref<128xi32, #tpu.memory_space<vmem>>
      %dma_start3A_69 = arith.constant 0 : i32
      %dma_start3A_70 = arith.constant 0 : i32
      %dma_start3A_71 = tpu.memref_slice %arg2[%dma_start3A_69, %dma_start3A_70] : memref<100000x64xf32, #tpu.memory_space<hbm>> -> memref<100000x64xf32, #tpu.memory_space<hbm>>
      tpu.enqueue_indirect_dma source(%dma_start3A_71 : memref<100000x64xf32, #tpu.memory_space<hbm>>) target(%dma_start3A_65 : memref<128x64xf32, #tpu.memory_space<vmem>>) offsets(%dma_start3A_68 : memref<128xi32, #tpu.memory_space<vmem>>) semaphore(%arg7 : memref<!tpu.dma_semaphore, #tpu.memory_space<semaphore_mem>>)
      %mul3A_72 = arith.constant 5 : i32
      %mul3A_73 = arith.muli %add3A_49, %mul3A_72 : i32
      %add3A_74 = arith.constant 1 : i32
      %add3A_75 = arith.addi %mul3A_73, %add3A_74 : i32
      %dma_start3A_76 = arith.constant 0 : i32
      %dma_start3A_77 = arith.constant 1 : i32
      %dma_start3A_78 = arith.constant 0 : i32
      %dma_start3A_79 = arith.constant 0 : i32
      %dma_start3A_80 = arith.constant 0 : i32
      %dma_start3A_81 = tpu.memref_slice %arg6[%dma_start3A_76, %dma_start3A_78, %dma_start3A_79, %dma_start3A_80] : memref<2x5x128x64xf32, #tpu.memory_space<vmem>> -> memref<1x5x128x64xf32, #tpu.memory_space<vmem>>
      %dma_start3A_82 = tpu.memref_squeeze %dma_start3A_81 : memref<1x5x128x64xf32, #tpu.memory_space<vmem>> -> memref<5x128x64xf32, #tpu.memory_space<vmem>>
      %dma_start3A_83 = arith.constant 0 : i32
      %dma_start3A_84 = arith.constant 0 : i32
      %dma_start3A_85 = tpu.memref_slice %dma_start3A_82[%dma_start3A_77, %dma_start3A_83, %dma_start3A_84] : memref<5x128x64xf32, #tpu.memory_space<vmem>> -> memref<1x128x64xf32, #tpu.memory_space<vmem>>
      %dma_start3A_86 = tpu.memref_squeeze %dma_start3A_85 : memref<1x128x64xf32, #tpu.memory_space<vmem>> -> memref<128x64xf32, #tpu.memory_space<vmem>>
      %dma_start3A_87 = arith.constant 0 : i32
      %dma_start3A_88 = tpu.memref_slice %arg5[%add3A_75, %dma_start3A_87] : memref<40x128xi32, #tpu.memory_space<vmem>> -> memref<1x128xi32, #tpu.memory_space<vmem>>
      %dma_start3A_89 = tpu.memref_squeeze %dma_start3A_88 : memref<1x128xi32, #tpu.memory_space<vmem>> -> memref<128xi32, #tpu.memory_space<vmem>>
      %dma_start3A_90 = arith.constant 0 : i32
      %dma_start3A_91 = arith.constant 0 : i32
      %dma_start3A_92 = tpu.memref_slice %arg2[%dma_start3A_90, %dma_start3A_91] : memref<100000x64xf32, #tpu.memory_space<hbm>> -> memref<100000x64xf32, #tpu.memory_space<hbm>>
      tpu.enqueue_indirect_dma source(%dma_start3A_92 : memref<100000x64xf32, #tpu.memory_space<hbm>>) target(%dma_start3A_86 : memref<128x64xf32, #tpu.memory_space<vmem>>) offsets(%dma_start3A_89 : memref<128xi32, #tpu.memory_space<vmem>>) semaphore(%arg7 : memref<!tpu.dma_semaphore, #tpu.memory_space<semaphore_mem>>)
      %mul3A_93 = arith.constant 5 : i32
      %mul3A_94 = arith.muli %add3A_49, %mul3A_93 : i32
      %add3A_95 = arith.constant 2 : i32
      %add3A_96 = arith.addi %mul3A_94, %add3A_95 : i32
      %dma_start3A_97 = arith.constant 0 : i32
      %dma_start3A_98 = arith.constant 2 : i32
      %dma_start3A_99 = arith.constant 0 : i32
      %dma_start3A_100 = arith.constant 0 : i32
      %dma_start3A_101 = arith.constant 0 : i32
      %dma_start3A_102 = tpu.memref_slice %arg6[%dma_start3A_97, %dma_start3A_99, %dma_start3A_100, %dma_start3A_101] : memref<2x5x128x64xf32, #tpu.memory_space<vmem>> -> memref<1x5x128x64xf32, #tpu.memory_space<vmem>>
      %dma_start3A_103 = tpu.memref_squeeze %dma_start3A_102 : memref<1x5x128x64xf32, #tpu.memory_space<vmem>> -> memref<5x128x64xf32, #tpu.memory_space<vmem>>
      %dma_start3A_104 = arith.constant 0 : i32
      %dma_start3A_105 = arith.constant 0 : i32
      %dma_start3A_106 = tpu.memref_slice %dma_start3A_103[%dma_start3A_98, %dma_start3A_104, %dma_start3A_105] : memref<5x128x64xf32, #tpu.memory_space<vmem>> -> memref<1x128x64xf32, #tpu.memory_space<vmem>>
      %dma_start3A_107 = tpu.memref_squeeze %dma_start3A_106 : memref<1x128x64xf32, #tpu.memory_space<vmem>> -> memref<128x64xf32, #tpu.memory_space<vmem>>
      %dma_start3A_108 = arith.constant 0 : i32
      %dma_start3A_109 = tpu.memref_slice %arg5[%add3A_96, %dma_start3A_108] : memref<40x128xi32, #tpu.memory_space<vmem>> -> memref<1x128xi32, #tpu.memory_space<vmem>>
      %dma_start3A_110 = tpu.memref_squeeze %dma_start3A_109 : memref<1x128xi32, #tpu.memory_space<vmem>> -> memref<128xi32, #tpu.memory_space<vmem>>
      %dma_start3A_111 = arith.constant 0 : i32
      %dma_start3A_112 = arith.constant 0 : i32
      %dma_start3A_113 = tpu.memref_slice %arg2[%dma_start3A_111, %dma_start3A_112] : memref<100000x64xf32, #tpu.memory_space<hbm>> -> memref<100000x64xf32, #tpu.memory_space<hbm>>
      tpu.enqueue_indirect_dma source(%dma_start3A_113 : memref<100000x64xf32, #tpu.memory_space<hbm>>) target(%dma_start3A_107 : memref<128x64xf32, #tpu.memory_space<vmem>>) offsets(%dma_start3A_110 : memref<128xi32, #tpu.memory_space<vmem>>) semaphore(%arg7 : memref<!tpu.dma_semaphore, #tpu.memory_space<semaphore_mem>>)
      %mul3A_114 = arith.constant 5 : i32
      %mul3A_115 = arith.muli %add3A_49, %mul3A_114 : i32
      %add3A_116 = arith.constant 3 : i32
      %add3A_117 = arith.addi %mul3A_115, %add3A_116 : i32
      %dma_start3A_118 = arith.constant 0 : i32
      %dma_start3A_119 = arith.constant 3 : i32
      %dma_start3A_120 = arith.constant 0 : i32
      %dma_start3A_121 = arith.constant 0 : i32
      %dma_start3A_122 = arith.constant 0 : i32
      %dma_start3A_123 = tpu.memref_slice %arg6[%dma_start3A_118, %dma_start3A_120, %dma_start3A_121, %dma_start3A_122] : memref<2x5x128x64xf32, #tpu.memory_space<vmem>> -> memref<1x5x128x64xf32, #tpu.memory_space<vmem>>
      %dma_start3A_124 = tpu.memref_squeeze %dma_start3A_123 : memref<1x5x128x64xf32, #tpu.memory_space<vmem>> -> memref<5x128x64xf32, #tpu.memory_space<vmem>>
      %dma_start3A_125 = arith.constant 0 : i32
      %dma_start3A_126 = arith.constant 0 : i32
      %dma_start3A_127 = tpu.memref_slice %dma_start3A_124[%dma_start3A_119, %dma_start3A_125, %dma_start3A_126] : memref<5x128x64xf32, #tpu.memory_space<vmem>> -> memref<1x128x64xf32, #tpu.memory_space<vmem>>
      %dma_start3A_128 = tpu.memref_squeeze %dma_start3A_127 : memref<1x128x64xf32, #tpu.memory_space<vmem>> -> memref<128x64xf32, #tpu.memory_space<vmem>>
      %dma_start3A_129 = arith.constant 0 : i32
      %dma_start3A_130 = tpu.memref_slice %arg5[%add3A_117, %dma_start3A_129] : memref<40x128xi32, #tpu.memory_space<vmem>> -> memref<1x128xi32, #tpu.memory_space<vmem>>
      %dma_start3A_131 = tpu.memref_squeeze %dma_start3A_130 : memref<1x128xi32, #tpu.memory_space<vmem>> -> memref<128xi32, #tpu.memory_space<vmem>>
      %dma_start3A_132 = arith.constant 0 : i32
      %dma_start3A_133 = arith.constant 0 : i32
      %dma_start3A_134 = tpu.memref_slice %arg2[%dma_start3A_132, %dma_start3A_133] : memref<100000x64xf32, #tpu.memory_space<hbm>> -> memref<100000x64xf32, #tpu.memory_space<hbm>>
      tpu.enqueue_indirect_dma source(%dma_start3A_134 : memref<100000x64xf32, #tpu.memory_space<hbm>>) target(%dma_start3A_128 : memref<128x64xf32, #tpu.memory_space<vmem>>) offsets(%dma_start3A_131 : memref<128xi32, #tpu.memory_space<vmem>>) semaphore(%arg7 : memref<!tpu.dma_semaphore, #tpu.memory_space<semaphore_mem>>)
      %mul3A_135 = arith.constant 5 : i32
      %mul3A_136 = arith.muli %add3A_49, %mul3A_135 : i32
      %add3A_137 = arith.constant 4 : i32
      %add3A_138 = arith.addi %mul3A_136, %add3A_137 : i32
      %dma_start3A_139 = arith.constant 0 : i32
      %dma_start3A_140 = arith.constant 4 : i32
      %dma_start3A_141 = arith.constant 0 : i32
      %dma_start3A_142 = arith.constant 0 : i32
      %dma_start3A_143 = arith.constant 0 : i32
      %dma_start3A_144 = tpu.memref_slice %arg6[%dma_start3A_139, %dma_start3A_141, %dma_start3A_142, %dma_start3A_143] : memref<2x5x128x64xf32, #tpu.memory_space<vmem>> -> memref<1x5x128x64xf32, #tpu.memory_space<vmem>>
      %dma_start3A_145 = tpu.memref_squeeze %dma_start3A_144 : memref<1x5x128x64xf32, #tpu.memory_space<vmem>> -> memref<5x128x64xf32, #tpu.memory_space<vmem>>
      %dma_start3A_146 = arith.constant 0 : i32
      %dma_start3A_147 = arith.constant 0 : i32
      %dma_start3A_148 = tpu.memref_slice %dma_start3A_145[%dma_start3A_140, %dma_start3A_146, %dma_start3A_147] : memref<5x128x64xf32, #tpu.memory_space<vmem>> -> memref<1x128x64xf32, #tpu.memory_space<vmem>>
      %dma_start3A_149 = tpu.memref_squeeze %dma_start3A_148 : memref<1x128x64xf32, #tpu.memory_space<vmem>> -> memref<128x64xf32, #tpu.memory_space<vmem>>
      %dma_start3A_150 = arith.constant 0 : i32
      %dma_start3A_151 = tpu.memref_slice %arg5[%add3A_138, %dma_start3A_150] : memref<40x128xi32, #tpu.memory_space<vmem>> -> memref<1x128xi32, #tpu.memory_space<vmem>>
      %dma_start3A_152 = tpu.memref_squeeze %dma_start3A_151 : memref<1x128xi32, #tpu.memory_space<vmem>> -> memref<128xi32, #tpu.memory_space<vmem>>
      %dma_start3A_153 = arith.constant 0 : i32
      %dma_start3A_154 = arith.constant 0 : i32
      %dma_start3A_155 = tpu.memref_slice %arg2[%dma_start3A_153, %dma_start3A_154] : memref<100000x64xf32, #tpu.memory_space<hbm>> -> memref<100000x64xf32, #tpu.memory_space<hbm>>
      tpu.enqueue_indirect_dma source(%dma_start3A_155 : memref<100000x64xf32, #tpu.memory_space<hbm>>) target(%dma_start3A_149 : memref<128x64xf32, #tpu.memory_space<vmem>>) offsets(%dma_start3A_152 : memref<128xi32, #tpu.memory_space<vmem>>) semaphore(%arg7 : memref<!tpu.dma_semaphore, #tpu.memory_space<semaphore_mem>>)
      %dma_wait3A_156 = arith.constant 0 : i32
      %dma_wait3A_157 = arith.constant 0 : i32
      %dma_wait3A_158 = arith.constant 0 : i32
      %dma_wait3A_159 = arith.constant 0 : i32
      %dma_wait3A_160 = arith.constant 0 : i32
      %dma_wait3A_161 = tpu.memref_slice %arg6[%dma_wait3A_156, %dma_wait3A_158, %dma_wait3A_159, %dma_wait3A_160] : memref<2x5x128x64xf32, #tpu.memory_space<vmem>> -> memref<1x5x128x64xf32, #tpu.memory_space<vmem>>
      %dma_wait3A_162 = tpu.memref_squeeze %dma_wait3A_161 : memref<1x5x128x64xf32, #tpu.memory_space<vmem>> -> memref<5x128x64xf32, #tpu.memory_space<vmem>>
      %dma_wait3A_163 = arith.constant 0 : i32
      %dma_wait3A_164 = arith.constant 0 : i32
      %dma_wait3A_165 = tpu.memref_slice %dma_wait3A_162[%dma_wait3A_157, %dma_wait3A_163, %dma_wait3A_164] : memref<5x128x64xf32, #tpu.memory_space<vmem>> -> memref<1x128x64xf32, #tpu.memory_space<vmem>>
      %dma_wait3A_166 = tpu.memref_squeeze %dma_wait3A_165 : memref<1x128x64xf32, #tpu.memory_space<vmem>> -> memref<128x64xf32, #tpu.memory_space<vmem>>
      %dma_wait3A_167 = arith.constant 0 : i32
      %dma_wait3A_168 = tpu.memref_slice %arg5[%add3A_55, %dma_wait3A_167] : memref<40x128xi32, #tpu.memory_space<vmem>> -> memref<1x128xi32, #tpu.memory_space<vmem>>
      %dma_wait3A_169 = tpu.memref_squeeze %dma_wait3A_168 : memref<1x128xi32, #tpu.memory_space<vmem>> -> memref<128xi32, #tpu.memory_space<vmem>>
      %dma_wait3A_170 = arith.constant 0 : i32
      %dma_wait3A_171 = arith.constant 0 : i32
      %dma_wait3A_172 = tpu.memref_slice %arg2[%dma_wait3A_170, %dma_wait3A_171] : memref<100000x64xf32, #tpu.memory_space<hbm>> -> memref<100000x64xf32, #tpu.memory_space<hbm>>
      tpu.wait_indirect_dma semaphore(%arg7 : memref<!tpu.dma_semaphore, #tpu.memory_space<semaphore_mem>>) src(%dma_wait3A_172 : memref<100000x64xf32, #tpu.memory_space<hbm>>) dst(%dma_wait3A_166 : memref<128x64xf32, #tpu.memory_space<vmem>>)
      %dma_wait3A_173 = arith.constant 0 : i32
      %dma_wait3A_174 = arith.constant 1 : i32
      %dma_wait3A_175 = arith.constant 0 : i32
      %dma_wait3A_176 = arith.constant 0 : i32
      %dma_wait3A_177 = arith.constant 0 : i32
      %dma_wait3A_178 = tpu.memref_slice %arg6[%dma_wait3A_173, %dma_wait3A_175, %dma_wait3A_176, %dma_wait3A_177] : memref<2x5x128x64xf32, #tpu.memory_space<vmem>> -> memref<1x5x128x64xf32, #tpu.memory_space<vmem>>
      %dma_wait3A_179 = tpu.memref_squeeze %dma_wait3A_178 : memref<1x5x128x64xf32, #tpu.memory_space<vmem>> -> memref<5x128x64xf32, #tpu.memory_space<vmem>>
      %dma_wait3A_180 = arith.constant 0 : i32
      %dma_wait3A_181 = arith.constant 0 : i32
      %dma_wait3A_182 = tpu.memref_slice %dma_wait3A_179[%dma_wait3A_174, %dma_wait3A_180, %dma_wait3A_181] : memref<5x128x64xf32, #tpu.memory_space<vmem>> -> memref<1x128x64xf32, #tpu.memory_space<vmem>>
      %dma_wait3A_183 = tpu.memref_squeeze %dma_wait3A_182 : memref<1x128x64xf32, #tpu.memory_space<vmem>> -> memref<128x64xf32, #tpu.memory_space<vmem>>
      %dma_wait3A_184 = arith.constant 0 : i32
      %dma_wait3A_185 = tpu.memref_slice %arg5[%add3A_75, %dma_wait3A_184] : memref<40x128xi32, #tpu.memory_space<vmem>> -> memref<1x128xi32, #tpu.memory_space<vmem>>
      %dma_wait3A_186 = tpu.memref_squeeze %dma_wait3A_185 : memref<1x128xi32, #tpu.memory_space<vmem>> -> memref<128xi32, #tpu.memory_space<vmem>>
      %dma_wait3A_187 = arith.constant 0 : i32
      %dma_wait3A_188 = arith.constant 0 : i32
      %dma_wait3A_189 = tpu.memref_slice %arg2[%dma_wait3A_187, %dma_wait3A_188] : memref<100000x64xf32, #tpu.memory_space<hbm>> -> memref<100000x64xf32, #tpu.memory_space<hbm>>
      tpu.wait_indirect_dma semaphore(%arg7 : memref<!tpu.dma_semaphore, #tpu.memory_space<semaphore_mem>>) src(%dma_wait3A_189 : memref<100000x64xf32, #tpu.memory_space<hbm>>) dst(%dma_wait3A_183 : memref<128x64xf32, #tpu.memory_space<vmem>>)
      %dma_wait3A_190 = arith.constant 0 : i32
      %dma_wait3A_191 = arith.constant 2 : i32
      %dma_wait3A_192 = arith.constant 0 : i32
      %dma_wait3A_193 = arith.constant 0 : i32
      %dma_wait3A_194 = arith.constant 0 : i32
      %dma_wait3A_195 = tpu.memref_slice %arg6[%dma_wait3A_190, %dma_wait3A_192, %dma_wait3A_193, %dma_wait3A_194] : memref<2x5x128x64xf32, #tpu.memory_space<vmem>> -> memref<1x5x128x64xf32, #tpu.memory_space<vmem>>
      %dma_wait3A_196 = tpu.memref_squeeze %dma_wait3A_195 : memref<1x5x128x64xf32, #tpu.memory_space<vmem>> -> memref<5x128x64xf32, #tpu.memory_space<vmem>>
      %dma_wait3A_197 = arith.constant 0 : i32
      %dma_wait3A_198 = arith.constant 0 : i32
      %dma_wait3A_199 = tpu.memref_slice %dma_wait3A_196[%dma_wait3A_191, %dma_wait3A_197, %dma_wait3A_198] : memref<5x128x64xf32, #tpu.memory_space<vmem>> -> memref<1x128x64xf32, #tpu.memory_space<vmem>>
      %dma_wait3A_200 = tpu.memref_squeeze %dma_wait3A_199 : memref<1x128x64xf32, #tpu.memory_space<vmem>> -> memref<128x64xf32, #tpu.memory_space<vmem>>
      %dma_wait3A_201 = arith.constant 0 : i32
      %dma_wait3A_202 = tpu.memref_slice %arg5[%add3A_96, %dma_wait3A_201] : memref<40x128xi32, #tpu.memory_space<vmem>> -> memref<1x128xi32, #tpu.memory_space<vmem>>
      %dma_wait3A_203 = tpu.memref_squeeze %dma_wait3A_202 : memref<1x128xi32, #tpu.memory_space<vmem>> -> memref<128xi32, #tpu.memory_space<vmem>>
      %dma_wait3A_204 = arith.constant 0 : i32
      %dma_wait3A_205 = arith.constant 0 : i32
      %dma_wait3A_206 = tpu.memref_slice %arg2[%dma_wait3A_204, %dma_wait3A_205] : memref<100000x64xf32, #tpu.memory_space<hbm>> -> memref<100000x64xf32, #tpu.memory_space<hbm>>
      tpu.wait_indirect_dma semaphore(%arg7 : memref<!tpu.dma_semaphore, #tpu.memory_space<semaphore_mem>>) src(%dma_wait3A_206 : memref<100000x64xf32, #tpu.memory_space<hbm>>) dst(%dma_wait3A_200 : memref<128x64xf32, #tpu.memory_space<vmem>>)
      %dma_wait3A_207 = arith.constant 0 : i32
      %dma_wait3A_208 = arith.constant 3 : i32
      %dma_wait3A_209 = arith.constant 0 : i32
      %dma_wait3A_210 = arith.constant 0 : i32
      %dma_wait3A_211 = arith.constant 0 : i32
      %dma_wait3A_212 = tpu.memref_slice %arg6[%dma_wait3A_207, %dma_wait3A_209, %dma_wait3A_210, %dma_wait3A_211] : memref<2x5x128x64xf32, #tpu.memory_space<vmem>> -> memref<1x5x128x64xf32, #tpu.memory_space<vmem>>
      %dma_wait3A_213 = tpu.memref_squeeze %dma_wait3A_212 : memref<1x5x128x64xf32, #tpu.memory_space<vmem>> -> memref<5x128x64xf32, #tpu.memory_space<vmem>>
      %dma_wait3A_214 = arith.constant 0 : i32
      %dma_wait3A_215 = arith.constant 0 : i32
      %dma_wait3A_216 = tpu.memref_slice %dma_wait3A_213[%dma_wait3A_208, %dma_wait3A_214, %dma_wait3A_215] : memref<5x128x64xf32, #tpu.memory_space<vmem>> -> memref<1x128x64xf32, #tpu.memory_space<vmem>>
      %dma_wait3A_217 = tpu.memref_squeeze %dma_wait3A_216 : memref<1x128x64xf32, #tpu.memory_space<vmem>> -> memref<128x64xf32, #tpu.memory_space<vmem>>
      %dma_wait3A_218 = arith.constant 0 : i32
      %dma_wait3A_219 = tpu.memref_slice %arg5[%add3A_117, %dma_wait3A_218] : memref<40x128xi32, #tpu.memory_space<vmem>> -> memref<1x128xi32, #tpu.memory_space<vmem>>
      %dma_wait3A_220 = tpu.memref_squeeze %dma_wait3A_219 : memref<1x128xi32, #tpu.memory_space<vmem>> -> memref<128xi32, #tpu.memory_space<vmem>>
      %dma_wait3A_221 = arith.constant 0 : i32
      %dma_wait3A_222 = arith.constant 0 : i32
      %dma_wait3A_223 = tpu.memref_slice %arg2[%dma_wait3A_221, %dma_wait3A_222] : memref<100000x64xf32, #tpu.memory_space<hbm>> -> memref<100000x64xf32, #tpu.memory_space<hbm>>
      tpu.wait_indirect_dma semaphore(%arg7 : memref<!tpu.dma_semaphore, #tpu.memory_space<semaphore_mem>>) src(%dma_wait3A_223 : memref<100000x64xf32, #tpu.memory_space<hbm>>) dst(%dma_wait3A_217 : memref<128x64xf32, #tpu.memory_space<vmem>>)
      %dma_wait3A_224 = arith.constant 0 : i32
      %dma_wait3A_225 = arith.constant 4 : i32
      %dma_wait3A_226 = arith.constant 0 : i32
      %dma_wait3A_227 = arith.constant 0 : i32
      %dma_wait3A_228 = arith.constant 0 : i32
      %dma_wait3A_229 = tpu.memref_slice %arg6[%dma_wait3A_224, %dma_wait3A_226, %dma_wait3A_227, %dma_wait3A_228] : memref<2x5x128x64xf32, #tpu.memory_space<vmem>> -> memref<1x5x128x64xf32, #tpu.memory_space<vmem>>
      %dma_wait3A_230 = tpu.memref_squeeze %dma_wait3A_229 : memref<1x5x128x64xf32, #tpu.memory_space<vmem>> -> memref<5x128x64xf32, #tpu.memory_space<vmem>>
      %dma_wait3A_231 = arith.constant 0 : i32
      %dma_wait3A_232 = arith.constant 0 : i32
      %dma_wait3A_233 = tpu.memref_slice %dma_wait3A_230[%dma_wait3A_225, %dma_wait3A_231, %dma_wait3A_232] : memref<5x128x64xf32, #tpu.memory_space<vmem>> -> memref<1x128x64xf32, #tpu.memory_space<vmem>>
      %dma_wait3A_234 = tpu.memref_squeeze %dma_wait3A_233 : memref<1x128x64xf32, #tpu.memory_space<vmem>> -> memref<128x64xf32, #tpu.memory_space<vmem>>
      %dma_wait3A_235 = arith.constant 0 : i32
      %dma_wait3A_236 = tpu.memref_slice %arg5[%add3A_138, %dma_wait3A_235] : memref<40x128xi32, #tpu.memory_space<vmem>> -> memref<1x128xi32, #tpu.memory_space<vmem>>
      %dma_wait3A_237 = tpu.memref_squeeze %dma_wait3A_236 : memref<1x128xi32, #tpu.memory_space<vmem>> -> memref<128xi32, #tpu.memory_space<vmem>>
      %dma_wait3A_238 = arith.constant 0 : i32
      %dma_wait3A_239 = arith.constant 0 : i32
      %dma_wait3A_240 = tpu.memref_slice %arg2[%dma_wait3A_238, %dma_wait3A_239] : memref<100000x64xf32, #tpu.memory_space<hbm>> -> memref<100000x64xf32, #tpu.memory_space<hbm>>
      tpu.wait_indirect_dma semaphore(%arg7 : memref<!tpu.dma_semaphore, #tpu.memory_space<semaphore_mem>>) src(%dma_wait3A_240 : memref<100000x64xf32, #tpu.memory_space<hbm>>) dst(%dma_wait3A_234 : memref<128x64xf32, #tpu.memory_space<vmem>>)
      %mul3A_241 = arith.constant 5 : i32
      %mul3A_242 = arith.muli %add3A_49, %mul3A_241 : i32
      %add3A_243 = arith.addi %mul3A_2, %mul3A_242 : i32
      %dma_start3A_244 = arith.constant 0 : i32
      %dma_start3A_245 = arith.constant 0 : i32
      %dma_start3A_246 = arith.constant 0 : i32
      %dma_start3A_247 = arith.constant 0 : i32
      %dma_start3A_248 = tpu.memref_slice %arg6[%dma_start3A_244, %dma_start3A_245, %dma_start3A_246, %dma_start3A_247] : memref<2x5x128x64xf32, #tpu.memory_space<vmem>> -> memref<1x5x128x64xf32, #tpu.memory_space<vmem>>
      %dma_start3A_249 = tpu.memref_squeeze %dma_start3A_248 : memref<1x5x128x64xf32, #tpu.memory_space<vmem>> -> memref<5x128x64xf32, #tpu.memory_space<vmem>>
      %dma_start3A_250 = arith.constant 0 : i32
      %dma_start3A_251 = arith.constant 0 : i32
      %dma_start3A_252 = tpu.memref_slice %arg4[%add3A_243, %dma_start3A_250, %dma_start3A_251] : memref<1280x128x64xf32, #tpu.memory_space<hbm>> -> memref<5x128x64xf32, #tpu.memory_space<hbm>>
      %dma_start3A_253 = arith.constant 0 : i32
      %dma_start3A_254 = arith.constant 0 : i32
      %dma_start3A_255 = tpu.memref_slice %arg4[%add3A_243, %dma_start3A_253, %dma_start3A_254] : memref<1280x128x64xf32, #tpu.memory_space<hbm>> -> memref<5x128x64xf32, #tpu.memory_space<hbm>>
      %dma_start3A_256 = arith.constant 0 : i32
      %dma_start3A_257 = arith.constant 0 : i32
      %dma_start3A_258 = arith.constant 0 : i32
      %dma_start3A_259 = tpu.memref_slice %arg6[%dma_start3A_244, %dma_start3A_256, %dma_start3A_257, %dma_start3A_258] : memref<2x5x128x64xf32, #tpu.memory_space<vmem>> -> memref<1x5x128x64xf32, #tpu.memory_space<vmem>>
      %dma_start3A_260 = tpu.memref_squeeze %dma_start3A_259 : memref<1x5x128x64xf32, #tpu.memory_space<vmem>> -> memref<5x128x64xf32, #tpu.memory_space<vmem>>
      tpu.enqueue_dma source(%dma_start3A_260 : memref<5x128x64xf32, #tpu.memory_space<vmem>>) target(%dma_start3A_255 : memref<5x128x64xf32, #tpu.memory_space<hbm>>) target_semaphore(%arg8 : memref<!tpu.dma_semaphore, #tpu.memory_space<semaphore_mem>>)
      %mul3A_261 = arith.constant 2 : i32
      %mul3A_262 = arith.muli %scan3A_45, %mul3A_261 : i32
      %add3A_263 = arith.constant 1 : i32
      %add3A_264 = arith.addi %mul3A_262, %add3A_263 : i32
      %ge3A_265 = arith.constant 2 : i32
      %ge3A_266 = arith.cmpi sge, %add3A_264, %ge3A_265 : i32
      %convert_element_type3A_267 = arith.extui %ge3A_266 : i1 to i32
      %cond3A_268 = arith.constant 0 : i32
      %cond3A_269 = arith.cmpi ne, %convert_element_type3A_267, %cond3A_268 : i32
      scf.if %cond3A_269 {
        %sub3A = arith.constant 2 : i32
        %sub3A_480 = arith.subi %add3A_264, %sub3A : i32
        %mul3A_481 = arith.constant 5 : i32
        %mul3A_482 = arith.muli %sub3A_480, %mul3A_481 : i32
        %add3A_483 = arith.addi %mul3A_2, %mul3A_482 : i32
        %dma_wait3A_484 = arith.constant 1 : i32
        %dma_wait3A_485 = arith.constant 0 : i32
        %dma_wait3A_486 = arith.constant 0 : i32
        %dma_wait3A_487 = arith.constant 0 : i32
        %dma_wait3A_488 = tpu.memref_slice %arg6[%dma_wait3A_484, %dma_wait3A_485, %dma_wait3A_486, %dma_wait3A_487] : memref<2x5x128x64xf32, #tpu.memory_space<vmem>> -> memref<1x5x128x64xf32, #tpu.memory_space<vmem>>
        %dma_wait3A_489 = tpu.memref_squeeze %dma_wait3A_488 : memref<1x5x128x64xf32, #tpu.memory_space<vmem>> -> memref<5x128x64xf32, #tpu.memory_space<vmem>>
        %dma_wait3A_490 = arith.constant 0 : i32
        %dma_wait3A_491 = arith.constant 0 : i32
        %dma_wait3A_492 = tpu.memref_slice %arg4[%add3A_483, %dma_wait3A_490, %dma_wait3A_491] : memref<1280x128x64xf32, #tpu.memory_space<hbm>> -> memref<5x128x64xf32, #tpu.memory_space<hbm>>
        %dma_wait3A_493 = arith.constant 0 : i32
        %dma_wait3A_494 = arith.constant 0 : i32
        %dma_wait3A_495 = tpu.memref_slice %arg4[%add3A_483, %dma_wait3A_493, %dma_wait3A_494] : memref<1280x128x64xf32, #tpu.memory_space<hbm>> -> memref<5x128x64xf32, #tpu.memory_space<hbm>>
        %dma_wait3A_496 = arith.constant 0 : i32
        %dma_wait3A_497 = arith.constant 0 : i32
        %dma_wait3A_498 = arith.constant 0 : i32
        %dma_wait3A_499 = tpu.memref_slice %arg6[%dma_wait3A_484, %dma_wait3A_496, %dma_wait3A_497, %dma_wait3A_498] : memref<2x5x128x64xf32, #tpu.memory_space<vmem>> -> memref<1x5x128x64xf32, #tpu.memory_space<vmem>>
        %dma_wait3A_500 = tpu.memref_squeeze %dma_wait3A_499 : memref<1x5x128x64xf32, #tpu.memory_space<vmem>> -> memref<5x128x64xf32, #tpu.memory_space<vmem>>
        tpu.wait_dma2 semaphore(%arg8 : memref<!tpu.dma_semaphore, #tpu.memory_space<semaphore_mem>>) src(%dma_wait3A_500 : memref<5x128x64xf32, #tpu.memory_space<vmem>>) dst(%dma_wait3A_495 : memref<5x128x64xf32, #tpu.memory_space<hbm>>)
      } else {
      }
      %mul3A_270 = arith.constant 5 : i32
      %mul3A_271 = arith.muli %add3A_264, %mul3A_270 : i32
      %add3A_272 = arith.constant 0 : i32
      %add3A_273 = arith.addi %mul3A_271, %add3A_272 : i32
      %dma_start3A_274 = arith.constant 1 : i32
      %dma_start3A_275 = arith.constant 0 : i32
      %dma_start3A_276 = arith.constant 0 : i32
      %dma_start3A_277 = arith.constant 0 : i32
      %dma_start3A_278 = arith.constant 0 : i32
      %dma_start3A_279 = tpu.memref_slice %arg6[%dma_start3A_274, %dma_start3A_276, %dma_start3A_277, %dma_start3A_278] : memref<2x5x128x64xf32, #tpu.memory_space<vmem>> -> memref<1x5x128x64xf32, #tpu.memory_space<vmem>>
      %dma_start3A_280 = tpu.memref_squeeze %dma_start3A_279 : memref<1x5x128x64xf32, #tpu.memory_space<vmem>> -> memref<5x128x64xf32, #tpu.memory_space<vmem>>
      %dma_start3A_281 = arith.constant 0 : i32
      %dma_start3A_282 = arith.constant 0 : i32
      %dma_start3A_283 = tpu.memref_slice %dma_start3A_280[%dma_start3A_275, %dma_start3A_281, %dma_start3A_282] : memref<5x128x64xf32, #tpu.memory_space<vmem>> -> memref<1x128x64xf32, #tpu.memory_space<vmem>>
      %dma_start3A_284 = tpu.memref_squeeze %dma_start3A_283 : memref<1x128x64xf32, #tpu.memory_space<vmem>> -> memref<128x64xf32, #tpu.memory_space<vmem>>
      %dma_start3A_285 = arith.constant 0 : i32
      %dma_start3A_286 = tpu.memref_slice %arg5[%add3A_273, %dma_start3A_285] : memref<40x128xi32, #tpu.memory_space<vmem>> -> memref<1x128xi32, #tpu.memory_space<vmem>>
      %dma_start3A_287 = tpu.memref_squeeze %dma_start3A_286 : memref<1x128xi32, #tpu.memory_space<vmem>> -> memref<128xi32, #tpu.memory_space<vmem>>
      %dma_start3A_288 = arith.constant 0 : i32
      %dma_start3A_289 = arith.constant 0 : i32
      %dma_start3A_290 = tpu.memref_slice %arg2[%dma_start3A_288, %dma_start3A_289] : memref<100000x64xf32, #tpu.memory_space<hbm>> -> memref<100000x64xf32, #tpu.memory_space<hbm>>
      tpu.enqueue_indirect_dma source(%dma_start3A_290 : memref<100000x64xf32, #tpu.memory_space<hbm>>) target(%dma_start3A_284 : memref<128x64xf32, #tpu.memory_space<vmem>>) offsets(%dma_start3A_287 : memref<128xi32, #tpu.memory_space<vmem>>) semaphore(%arg7 : memref<!tpu.dma_semaphore, #tpu.memory_space<semaphore_mem>>)
      %mul3A_291 = arith.constant 5 : i32
      %mul3A_292 = arith.muli %add3A_264, %mul3A_291 : i32
      %add3A_293 = arith.constant 1 : i32
      %add3A_294 = arith.addi %mul3A_292, %add3A_293 : i32
      %dma_start3A_295 = arith.constant 1 : i32
      %dma_start3A_296 = arith.constant 1 : i32
      %dma_start3A_297 = arith.constant 0 : i32
      %dma_start3A_298 = arith.constant 0 : i32
      %dma_start3A_299 = arith.constant 0 : i32
      %dma_start3A_300 = tpu.memref_slice %arg6[%dma_start3A_295, %dma_start3A_297, %dma_start3A_298, %dma_start3A_299] : memref<2x5x128x64xf32, #tpu.memory_space<vmem>> -> memref<1x5x128x64xf32, #tpu.memory_space<vmem>>
      %dma_start3A_301 = tpu.memref_squeeze %dma_start3A_300 : memref<1x5x128x64xf32, #tpu.memory_space<vmem>> -> memref<5x128x64xf32, #tpu.memory_space<vmem>>
      %dma_start3A_302 = arith.constant 0 : i32
      %dma_start3A_303 = arith.constant 0 : i32
      %dma_start3A_304 = tpu.memref_slice %dma_start3A_301[%dma_start3A_296, %dma_start3A_302, %dma_start3A_303] : memref<5x128x64xf32, #tpu.memory_space<vmem>> -> memref<1x128x64xf32, #tpu.memory_space<vmem>>
      %dma_start3A_305 = tpu.memref_squeeze %dma_start3A_304 : memref<1x128x64xf32, #tpu.memory_space<vmem>> -> memref<128x64xf32, #tpu.memory_space<vmem>>
      %dma_start3A_306 = arith.constant 0 : i32
      %dma_start3A_307 = tpu.memref_slice %arg5[%add3A_294, %dma_start3A_306] : memref<40x128xi32, #tpu.memory_space<vmem>> -> memref<1x128xi32, #tpu.memory_space<vmem>>
      %dma_start3A_308 = tpu.memref_squeeze %dma_start3A_307 : memref<1x128xi32, #tpu.memory_space<vmem>> -> memref<128xi32, #tpu.memory_space<vmem>>
      %dma_start3A_309 = arith.constant 0 : i32
      %dma_start3A_310 = arith.constant 0 : i32
      %dma_start3A_311 = tpu.memref_slice %arg2[%dma_start3A_309, %dma_start3A_310] : memref<100000x64xf32, #tpu.memory_space<hbm>> -> memref<100000x64xf32, #tpu.memory_space<hbm>>
      tpu.enqueue_indirect_dma source(%dma_start3A_311 : memref<100000x64xf32, #tpu.memory_space<hbm>>) target(%dma_start3A_305 : memref<128x64xf32, #tpu.memory_space<vmem>>) offsets(%dma_start3A_308 : memref<128xi32, #tpu.memory_space<vmem>>) semaphore(%arg7 : memref<!tpu.dma_semaphore, #tpu.memory_space<semaphore_mem>>)
      %mul3A_312 = arith.constant 5 : i32
      %mul3A_313 = arith.muli %add3A_264, %mul3A_312 : i32
      %add3A_314 = arith.constant 2 : i32
      %add3A_315 = arith.addi %mul3A_313, %add3A_314 : i32
      %dma_start3A_316 = arith.constant 1 : i32
      %dma_start3A_317 = arith.constant 2 : i32
      %dma_start3A_318 = arith.constant 0 : i32
      %dma_start3A_319 = arith.constant 0 : i32
      %dma_start3A_320 = arith.constant 0 : i32
      %dma_start3A_321 = tpu.memref_slice %arg6[%dma_start3A_316, %dma_start3A_318, %dma_start3A_319, %dma_start3A_320] : memref<2x5x128x64xf32, #tpu.memory_space<vmem>> -> memref<1x5x128x64xf32, #tpu.memory_space<vmem>>
      %dma_start3A_322 = tpu.memref_squeeze %dma_start3A_321 : memref<1x5x128x64xf32, #tpu.memory_space<vmem>> -> memref<5x128x64xf32, #tpu.memory_space<vmem>>
      %dma_start3A_323 = arith.constant 0 : i32
      %dma_start3A_324 = arith.constant 0 : i32
      %dma_start3A_325 = tpu.memref_slice %dma_start3A_322[%dma_start3A_317, %dma_start3A_323, %dma_start3A_324] : memref<5x128x64xf32, #tpu.memory_space<vmem>> -> memref<1x128x64xf32, #tpu.memory_space<vmem>>
      %dma_start3A_326 = tpu.memref_squeeze %dma_start3A_325 : memref<1x128x64xf32, #tpu.memory_space<vmem>> -> memref<128x64xf32, #tpu.memory_space<vmem>>
      %dma_start3A_327 = arith.constant 0 : i32
      %dma_start3A_328 = tpu.memref_slice %arg5[%add3A_315, %dma_start3A_327] : memref<40x128xi32, #tpu.memory_space<vmem>> -> memref<1x128xi32, #tpu.memory_space<vmem>>
      %dma_start3A_329 = tpu.memref_squeeze %dma_start3A_328 : memref<1x128xi32, #tpu.memory_space<vmem>> -> memref<128xi32, #tpu.memory_space<vmem>>
      %dma_start3A_330 = arith.constant 0 : i32
      %dma_start3A_331 = arith.constant 0 : i32
      %dma_start3A_332 = tpu.memref_slice %arg2[%dma_start3A_330, %dma_start3A_331] : memref<100000x64xf32, #tpu.memory_space<hbm>> -> memref<100000x64xf32, #tpu.memory_space<hbm>>
      tpu.enqueue_indirect_dma source(%dma_start3A_332 : memref<100000x64xf32, #tpu.memory_space<hbm>>) target(%dma_start3A_326 : memref<128x64xf32, #tpu.memory_space<vmem>>) offsets(%dma_start3A_329 : memref<128xi32, #tpu.memory_space<vmem>>) semaphore(%arg7 : memref<!tpu.dma_semaphore, #tpu.memory_space<semaphore_mem>>)
      %mul3A_333 = arith.constant 5 : i32
      %mul3A_334 = arith.muli %add3A_264, %mul3A_333 : i32
      %add3A_335 = arith.constant 3 : i32
      %add3A_336 = arith.addi %mul3A_334, %add3A_335 : i32
      %dma_start3A_337 = arith.constant 1 : i32
      %dma_start3A_338 = arith.constant 3 : i32
      %dma_start3A_339 = arith.constant 0 : i32
      %dma_start3A_340 = arith.constant 0 : i32
      %dma_start3A_341 = arith.constant 0 : i32
      %dma_start3A_342 = tpu.memref_slice %arg6[%dma_start3A_337, %dma_start3A_339, %dma_start3A_340, %dma_start3A_341] : memref<2x5x128x64xf32, #tpu.memory_space<vmem>> -> memref<1x5x128x64xf32, #tpu.memory_space<vmem>>
      %dma_start3A_343 = tpu.memref_squeeze %dma_start3A_342 : memref<1x5x128x64xf32, #tpu.memory_space<vmem>> -> memref<5x128x64xf32, #tpu.memory_space<vmem>>
      %dma_start3A_344 = arith.constant 0 : i32
      %dma_start3A_345 = arith.constant 0 : i32
      %dma_start3A_346 = tpu.memref_slice %dma_start3A_343[%dma_start3A_338, %dma_start3A_344, %dma_start3A_345] : memref<5x128x64xf32, #tpu.memory_space<vmem>> -> memref<1x128x64xf32, #tpu.memory_space<vmem>>
      %dma_start3A_347 = tpu.memref_squeeze %dma_start3A_346 : memref<1x128x64xf32, #tpu.memory_space<vmem>> -> memref<128x64xf32, #tpu.memory_space<vmem>>
      %dma_start3A_348 = arith.constant 0 : i32
      %dma_start3A_349 = tpu.memref_slice %arg5[%add3A_336, %dma_start3A_348] : memref<40x128xi32, #tpu.memory_space<vmem>> -> memref<1x128xi32, #tpu.memory_space<vmem>>
      %dma_start3A_350 = tpu.memref_squeeze %dma_start3A_349 : memref<1x128xi32, #tpu.memory_space<vmem>> -> memref<128xi32, #tpu.memory_space<vmem>>
      %dma_start3A_351 = arith.constant 0 : i32
      %dma_start3A_352 = arith.constant 0 : i32
      %dma_start3A_353 = tpu.memref_slice %arg2[%dma_start3A_351, %dma_start3A_352] : memref<100000x64xf32, #tpu.memory_space<hbm>> -> memref<100000x64xf32, #tpu.memory_space<hbm>>
      tpu.enqueue_indirect_dma source(%dma_start3A_353 : memref<100000x64xf32, #tpu.memory_space<hbm>>) target(%dma_start3A_347 : memref<128x64xf32, #tpu.memory_space<vmem>>) offsets(%dma_start3A_350 : memref<128xi32, #tpu.memory_space<vmem>>) semaphore(%arg7 : memref<!tpu.dma_semaphore, #tpu.memory_space<semaphore_mem>>)
      %mul3A_354 = arith.constant 5 : i32
      %mul3A_355 = arith.muli %add3A_264, %mul3A_354 : i32
      %add3A_356 = arith.constant 4 : i32
      %add3A_357 = arith.addi %mul3A_355, %add3A_356 : i32
      %dma_start3A_358 = arith.constant 1 : i32
      %dma_start3A_359 = arith.constant 4 : i32
      %dma_start3A_360 = arith.constant 0 : i32
      %dma_start3A_361 = arith.constant 0 : i32
      %dma_start3A_362 = arith.constant 0 : i32
      %dma_start3A_363 = tpu.memref_slice %arg6[%dma_start3A_358, %dma_start3A_360, %dma_start3A_361, %dma_start3A_362] : memref<2x5x128x64xf32, #tpu.memory_space<vmem>> -> memref<1x5x128x64xf32, #tpu.memory_space<vmem>>
      %dma_start3A_364 = tpu.memref_squeeze %dma_start3A_363 : memref<1x5x128x64xf32, #tpu.memory_space<vmem>> -> memref<5x128x64xf32, #tpu.memory_space<vmem>>
      %dma_start3A_365 = arith.constant 0 : i32
      %dma_start3A_366 = arith.constant 0 : i32
      %dma_start3A_367 = tpu.memref_slice %dma_start3A_364[%dma_start3A_359, %dma_start3A_365, %dma_start3A_366] : memref<5x128x64xf32, #tpu.memory_space<vmem>> -> memref<1x128x64xf32, #tpu.memory_space<vmem>>
      %dma_start3A_368 = tpu.memref_squeeze %dma_start3A_367 : memref<1x128x64xf32, #tpu.memory_space<vmem>> -> memref<128x64xf32, #tpu.memory_space<vmem>>
      %dma_start3A_369 = arith.constant 0 : i32
      %dma_start3A_370 = tpu.memref_slice %arg5[%add3A_357, %dma_start3A_369] : memref<40x128xi32, #tpu.memory_space<vmem>> -> memref<1x128xi32, #tpu.memory_space<vmem>>
      %dma_start3A_371 = tpu.memref_squeeze %dma_start3A_370 : memref<1x128xi32, #tpu.memory_space<vmem>> -> memref<128xi32, #tpu.memory_space<vmem>>
      %dma_start3A_372 = arith.constant 0 : i32
      %dma_start3A_373 = arith.constant 0 : i32
      %dma_start3A_374 = tpu.memref_slice %arg2[%dma_start3A_372, %dma_start3A_373] : memref<100000x64xf32, #tpu.memory_space<hbm>> -> memref<100000x64xf32, #tpu.memory_space<hbm>>
      tpu.enqueue_indirect_dma source(%dma_start3A_374 : memref<100000x64xf32, #tpu.memory_space<hbm>>) target(%dma_start3A_368 : memref<128x64xf32, #tpu.memory_space<vmem>>) offsets(%dma_start3A_371 : memref<128xi32, #tpu.memory_space<vmem>>) semaphore(%arg7 : memref<!tpu.dma_semaphore, #tpu.memory_space<semaphore_mem>>)
      %dma_wait3A_375 = arith.constant 1 : i32
      %dma_wait3A_376 = arith.constant 0 : i32
      %dma_wait3A_377 = arith.constant 0 : i32
      %dma_wait3A_378 = arith.constant 0 : i32
      %dma_wait3A_379 = arith.constant 0 : i32
      %dma_wait3A_380 = tpu.memref_slice %arg6[%dma_wait3A_375, %dma_wait3A_377, %dma_wait3A_378, %dma_wait3A_379] : memref<2x5x128x64xf32, #tpu.memory_space<vmem>> -> memref<1x5x128x64xf32, #tpu.memory_space<vmem>>
      %dma_wait3A_381 = tpu.memref_squeeze %dma_wait3A_380 : memref<1x5x128x64xf32, #tpu.memory_space<vmem>> -> memref<5x128x64xf32, #tpu.memory_space<vmem>>
      %dma_wait3A_382 = arith.constant 0 : i32
      %dma_wait3A_383 = arith.constant 0 : i32
      %dma_wait3A_384 = tpu.memref_slice %dma_wait3A_381[%dma_wait3A_376, %dma_wait3A_382, %dma_wait3A_383] : memref<5x128x64xf32, #tpu.memory_space<vmem>> -> memref<1x128x64xf32, #tpu.memory_space<vmem>>
      %dma_wait3A_385 = tpu.memref_squeeze %dma_wait3A_384 : memref<1x128x64xf32, #tpu.memory_space<vmem>> -> memref<128x64xf32, #tpu.memory_space<vmem>>
      %dma_wait3A_386 = arith.constant 0 : i32
      %dma_wait3A_387 = tpu.memref_slice %arg5[%add3A_273, %dma_wait3A_386] : memref<40x128xi32, #tpu.memory_space<vmem>> -> memref<1x128xi32, #tpu.memory_space<vmem>>
      %dma_wait3A_388 = tpu.memref_squeeze %dma_wait3A_387 : memref<1x128xi32, #tpu.memory_space<vmem>> -> memref<128xi32, #tpu.memory_space<vmem>>
      %dma_wait3A_389 = arith.constant 0 : i32
      %dma_wait3A_390 = arith.constant 0 : i32
      %dma_wait3A_391 = tpu.memref_slice %arg2[%dma_wait3A_389, %dma_wait3A_390] : memref<100000x64xf32, #tpu.memory_space<hbm>> -> memref<100000x64xf32, #tpu.memory_space<hbm>>
      tpu.wait_indirect_dma semaphore(%arg7 : memref<!tpu.dma_semaphore, #tpu.memory_space<semaphore_mem>>) src(%dma_wait3A_391 : memref<100000x64xf32, #tpu.memory_space<hbm>>) dst(%dma_wait3A_385 : memref<128x64xf32, #tpu.memory_space<vmem>>)
      %dma_wait3A_392 = arith.constant 1 : i32
      %dma_wait3A_393 = arith.constant 1 : i32
      %dma_wait3A_394 = arith.constant 0 : i32
      %dma_wait3A_395 = arith.constant 0 : i32
      %dma_wait3A_396 = arith.constant 0 : i32
      %dma_wait3A_397 = tpu.memref_slice %arg6[%dma_wait3A_392, %dma_wait3A_394, %dma_wait3A_395, %dma_wait3A_396] : memref<2x5x128x64xf32, #tpu.memory_space<vmem>> -> memref<1x5x128x64xf32, #tpu.memory_space<vmem>>
      %dma_wait3A_398 = tpu.memref_squeeze %dma_wait3A_397 : memref<1x5x128x64xf32, #tpu.memory_space<vmem>> -> memref<5x128x64xf32, #tpu.memory_space<vmem>>
      %dma_wait3A_399 = arith.constant 0 : i32
      %dma_wait3A_400 = arith.constant 0 : i32
      %dma_wait3A_401 = tpu.memref_slice %dma_wait3A_398[%dma_wait3A_393, %dma_wait3A_399, %dma_wait3A_400] : memref<5x128x64xf32, #tpu.memory_space<vmem>> -> memref<1x128x64xf32, #tpu.memory_space<vmem>>
      %dma_wait3A_402 = tpu.memref_squeeze %dma_wait3A_401 : memref<1x128x64xf32, #tpu.memory_space<vmem>> -> memref<128x64xf32, #tpu.memory_space<vmem>>
      %dma_wait3A_403 = arith.constant 0 : i32
      %dma_wait3A_404 = tpu.memref_slice %arg5[%add3A_294, %dma_wait3A_403] : memref<40x128xi32, #tpu.memory_space<vmem>> -> memref<1x128xi32, #tpu.memory_space<vmem>>
      %dma_wait3A_405 = tpu.memref_squeeze %dma_wait3A_404 : memref<1x128xi32, #tpu.memory_space<vmem>> -> memref<128xi32, #tpu.memory_space<vmem>>
      %dma_wait3A_406 = arith.constant 0 : i32
      %dma_wait3A_407 = arith.constant 0 : i32
      %dma_wait3A_408 = tpu.memref_slice %arg2[%dma_wait3A_406, %dma_wait3A_407] : memref<100000x64xf32, #tpu.memory_space<hbm>> -> memref<100000x64xf32, #tpu.memory_space<hbm>>
      tpu.wait_indirect_dma semaphore(%arg7 : memref<!tpu.dma_semaphore, #tpu.memory_space<semaphore_mem>>) src(%dma_wait3A_408 : memref<100000x64xf32, #tpu.memory_space<hbm>>) dst(%dma_wait3A_402 : memref<128x64xf32, #tpu.memory_space<vmem>>)
      %dma_wait3A_409 = arith.constant 1 : i32
      %dma_wait3A_410 = arith.constant 2 : i32
      %dma_wait3A_411 = arith.constant 0 : i32
      %dma_wait3A_412 = arith.constant 0 : i32
      %dma_wait3A_413 = arith.constant 0 : i32
      %dma_wait3A_414 = tpu.memref_slice %arg6[%dma_wait3A_409, %dma_wait3A_411, %dma_wait3A_412, %dma_wait3A_413] : memref<2x5x128x64xf32, #tpu.memory_space<vmem>> -> memref<1x5x128x64xf32, #tpu.memory_space<vmem>>
      %dma_wait3A_415 = tpu.memref_squeeze %dma_wait3A_414 : memref<1x5x128x64xf32, #tpu.memory_space<vmem>> -> memref<5x128x64xf32, #tpu.memory_space<vmem>>
      %dma_wait3A_416 = arith.constant 0 : i32
      %dma_wait3A_417 = arith.constant 0 : i32
      %dma_wait3A_418 = tpu.memref_slice %dma_wait3A_415[%dma_wait3A_410, %dma_wait3A_416, %dma_wait3A_417] : memref<5x128x64xf32, #tpu.memory_space<vmem>> -> memref<1x128x64xf32, #tpu.memory_space<vmem>>
      %dma_wait3A_419 = tpu.memref_squeeze %dma_wait3A_418 : memref<1x128x64xf32, #tpu.memory_space<vmem>> -> memref<128x64xf32, #tpu.memory_space<vmem>>
      %dma_wait3A_420 = arith.constant 0 : i32
      %dma_wait3A_421 = tpu.memref_slice %arg5[%add3A_315, %dma_wait3A_420] : memref<40x128xi32, #tpu.memory_space<vmem>> -> memref<1x128xi32, #tpu.memory_space<vmem>>
      %dma_wait3A_422 = tpu.memref_squeeze %dma_wait3A_421 : memref<1x128xi32, #tpu.memory_space<vmem>> -> memref<128xi32, #tpu.memory_space<vmem>>
      %dma_wait3A_423 = arith.constant 0 : i32
      %dma_wait3A_424 = arith.constant 0 : i32
      %dma_wait3A_425 = tpu.memref_slice %arg2[%dma_wait3A_423, %dma_wait3A_424] : memref<100000x64xf32, #tpu.memory_space<hbm>> -> memref<100000x64xf32, #tpu.memory_space<hbm>>
      tpu.wait_indirect_dma semaphore(%arg7 : memref<!tpu.dma_semaphore, #tpu.memory_space<semaphore_mem>>) src(%dma_wait3A_425 : memref<100000x64xf32, #tpu.memory_space<hbm>>) dst(%dma_wait3A_419 : memref<128x64xf32, #tpu.memory_space<vmem>>)
      %dma_wait3A_426 = arith.constant 1 : i32
      %dma_wait3A_427 = arith.constant 3 : i32
      %dma_wait3A_428 = arith.constant 0 : i32
      %dma_wait3A_429 = arith.constant 0 : i32
      %dma_wait3A_430 = arith.constant 0 : i32
      %dma_wait3A_431 = tpu.memref_slice %arg6[%dma_wait3A_426, %dma_wait3A_428, %dma_wait3A_429, %dma_wait3A_430] : memref<2x5x128x64xf32, #tpu.memory_space<vmem>> -> memref<1x5x128x64xf32, #tpu.memory_space<vmem>>
      %dma_wait3A_432 = tpu.memref_squeeze %dma_wait3A_431 : memref<1x5x128x64xf32, #tpu.memory_space<vmem>> -> memref<5x128x64xf32, #tpu.memory_space<vmem>>
      %dma_wait3A_433 = arith.constant 0 : i32
      %dma_wait3A_434 = arith.constant 0 : i32
      %dma_wait3A_435 = tpu.memref_slice %dma_wait3A_432[%dma_wait3A_427, %dma_wait3A_433, %dma_wait3A_434] : memref<5x128x64xf32, #tpu.memory_space<vmem>> -> memref<1x128x64xf32, #tpu.memory_space<vmem>>
      %dma_wait3A_436 = tpu.memref_squeeze %dma_wait3A_435 : memref<1x128x64xf32, #tpu.memory_space<vmem>> -> memref<128x64xf32, #tpu.memory_space<vmem>>
      %dma_wait3A_437 = arith.constant 0 : i32
      %dma_wait3A_438 = tpu.memref_slice %arg5[%add3A_336, %dma_wait3A_437] : memref<40x128xi32, #tpu.memory_space<vmem>> -> memref<1x128xi32, #tpu.memory_space<vmem>>
      %dma_wait3A_439 = tpu.memref_squeeze %dma_wait3A_438 : memref<1x128xi32, #tpu.memory_space<vmem>> -> memref<128xi32, #tpu.memory_space<vmem>>
      %dma_wait3A_440 = arith.constant 0 : i32
      %dma_wait3A_441 = arith.constant 0 : i32
      %dma_wait3A_442 = tpu.memref_slice %arg2[%dma_wait3A_440, %dma_wait3A_441] : memref<100000x64xf32, #tpu.memory_space<hbm>> -> memref<100000x64xf32, #tpu.memory_space<hbm>>
      tpu.wait_indirect_dma semaphore(%arg7 : memref<!tpu.dma_semaphore, #tpu.memory_space<semaphore_mem>>) src(%dma_wait3A_442 : memref<100000x64xf32, #tpu.memory_space<hbm>>) dst(%dma_wait3A_436 : memref<128x64xf32, #tpu.memory_space<vmem>>)
      %dma_wait3A_443 = arith.constant 1 : i32
      %dma_wait3A_444 = arith.constant 4 : i32
      %dma_wait3A_445 = arith.constant 0 : i32
      %dma_wait3A_446 = arith.constant 0 : i32
      %dma_wait3A_447 = arith.constant 0 : i32
      %dma_wait3A_448 = tpu.memref_slice %arg6[%dma_wait3A_443, %dma_wait3A_445, %dma_wait3A_446, %dma_wait3A_447] : memref<2x5x128x64xf32, #tpu.memory_space<vmem>> -> memref<1x5x128x64xf32, #tpu.memory_space<vmem>>
      %dma_wait3A_449 = tpu.memref_squeeze %dma_wait3A_448 : memref<1x5x128x64xf32, #tpu.memory_space<vmem>> -> memref<5x128x64xf32, #tpu.memory_space<vmem>>
      %dma_wait3A_450 = arith.constant 0 : i32
      %dma_wait3A_451 = arith.constant 0 : i32
      %dma_wait3A_452 = tpu.memref_slice %dma_wait3A_449[%dma_wait3A_444, %dma_wait3A_450, %dma_wait3A_451] : memref<5x128x64xf32, #tpu.memory_space<vmem>> -> memref<1x128x64xf32, #tpu.memory_space<vmem>>
      %dma_wait3A_453 = tpu.memref_squeeze %dma_wait3A_452 : memref<1x128x64xf32, #tpu.memory_space<vmem>> -> memref<128x64xf32, #tpu.memory_space<vmem>>
      %dma_wait3A_454 = arith.constant 0 : i32
      %dma_wait3A_455 = tpu.memref_slice %arg5[%add3A_357, %dma_wait3A_454] : memref<40x128xi32, #tpu.memory_space<vmem>> -> memref<1x128xi32, #tpu.memory_space<vmem>>
      %dma_wait3A_456 = tpu.memref_squeeze %dma_wait3A_455 : memref<1x128xi32, #tpu.memory_space<vmem>> -> memref<128xi32, #tpu.memory_space<vmem>>
      %dma_wait3A_457 = arith.constant 0 : i32
      %dma_wait3A_458 = arith.constant 0 : i32
      %dma_wait3A_459 = tpu.memref_slice %arg2[%dma_wait3A_457, %dma_wait3A_458] : memref<100000x64xf32, #tpu.memory_space<hbm>> -> memref<100000x64xf32, #tpu.memory_space<hbm>>
      tpu.wait_indirect_dma semaphore(%arg7 : memref<!tpu.dma_semaphore, #tpu.memory_space<semaphore_mem>>) src(%dma_wait3A_459 : memref<100000x64xf32, #tpu.memory_space<hbm>>) dst(%dma_wait3A_453 : memref<128x64xf32, #tpu.memory_space<vmem>>)
      %mul3A_460 = arith.constant 5 : i32
      %mul3A_461 = arith.muli %add3A_264, %mul3A_460 : i32
      %add3A_462 = arith.addi %mul3A_2, %mul3A_461 : i32
      %dma_start3A_463 = arith.constant 1 : i32
      %dma_start3A_464 = arith.constant 0 : i32
      %dma_start3A_465 = arith.constant 0 : i32
      %dma_start3A_466 = arith.constant 0 : i32
      %dma_start3A_467 = tpu.memref_slice %arg6[%dma_start3A_463, %dma_start3A_464, %dma_start3A_465, %dma_start3A_466] : memref<2x5x128x64xf32, #tpu.memory_space<vmem>> -> memref<1x5x128x64xf32, #tpu.memory_space<vmem>>
      %dma_start3A_468 = tpu.memref_squeeze %dma_start3A_467 : memref<1x5x128x64xf32, #tpu.memory_space<vmem>> -> memref<5x128x64xf32, #tpu.memory_space<vmem>>
      %dma_start3A_469 = arith.constant 0 : i32
      %dma_start3A_470 = arith.constant 0 : i32
      %dma_start3A_471 = tpu.memref_slice %arg4[%add3A_462, %dma_start3A_469, %dma_start3A_470] : memref<1280x128x64xf32, #tpu.memory_space<hbm>> -> memref<5x128x64xf32, #tpu.memory_space<hbm>>
      %dma_start3A_472 = arith.constant 0 : i32
      %dma_start3A_473 = arith.constant 0 : i32
      %dma_start3A_474 = tpu.memref_slice %arg4[%add3A_462, %dma_start3A_472, %dma_start3A_473] : memref<1280x128x64xf32, #tpu.memory_space<hbm>> -> memref<5x128x64xf32, #tpu.memory_space<hbm>>
      %dma_start3A_475 = arith.constant 0 : i32
      %dma_start3A_476 = arith.constant 0 : i32
      %dma_start3A_477 = arith.constant 0 : i32
      %dma_start3A_478 = tpu.memref_slice %arg6[%dma_start3A_463, %dma_start3A_475, %dma_start3A_476, %dma_start3A_477] : memref<2x5x128x64xf32, #tpu.memory_space<vmem>> -> memref<1x5x128x64xf32, #tpu.memory_space<vmem>>
      %dma_start3A_479 = tpu.memref_squeeze %dma_start3A_478 : memref<1x5x128x64xf32, #tpu.memory_space<vmem>> -> memref<5x128x64xf32, #tpu.memory_space<vmem>>
      tpu.enqueue_dma source(%dma_start3A_479 : memref<5x128x64xf32, #tpu.memory_space<vmem>>) target(%dma_start3A_474 : memref<5x128x64xf32, #tpu.memory_space<hbm>>) target_semaphore(%arg8 : memref<!tpu.dma_semaphore, #tpu.memory_space<semaphore_mem>>)
    }
    %scan3A_7 = arith.constant 4 : i32
    %add3A_8 = arith.constant 0 : i32
    %add3A_9 = arith.addi %mul3A_2, %add3A_8 : i32
    %dma_wait3A = arith.constant 0 : i32
    %dma_wait3A_10 = arith.constant 0 : i32
    %dma_wait3A_11 = arith.constant 0 : i32
    %dma_wait3A_12 = arith.constant 0 : i32
    %dma_wait3A_13 = tpu.memref_slice %arg6[%dma_wait3A, %dma_wait3A_10, %dma_wait3A_11, %dma_wait3A_12] : memref<2x5x128x64xf32, #tpu.memory_space<vmem>> -> memref<1x5x128x64xf32, #tpu.memory_space<vmem>>
    %dma_wait3A_14 = tpu.memref_squeeze %dma_wait3A_13 : memref<1x5x128x64xf32, #tpu.memory_space<vmem>> -> memref<5x128x64xf32, #tpu.memory_space<vmem>>
    %dma_wait3A_15 = arith.constant 0 : i32
    %dma_wait3A_16 = arith.constant 0 : i32
    %dma_wait3A_17 = tpu.memref_slice %arg4[%add3A_9, %dma_wait3A_15, %dma_wait3A_16] : memref<1280x128x64xf32, #tpu.memory_space<hbm>> -> memref<5x128x64xf32, #tpu.memory_space<hbm>>
    %dma_wait3A_18 = arith.constant 0 : i32
    %dma_wait3A_19 = arith.constant 0 : i32
    %dma_wait3A_20 = tpu.memref_slice %arg4[%add3A_9, %dma_wait3A_18, %dma_wait3A_19] : memref<1280x128x64xf32, #tpu.memory_space<hbm>> -> memref<5x128x64xf32, #tpu.memory_space<hbm>>
    %dma_wait3A_21 = arith.constant 0 : i32
    %dma_wait3A_22 = arith.constant 0 : i32
    %dma_wait3A_23 = arith.constant 0 : i32
    %dma_wait3A_24 = tpu.memref_slice %arg6[%dma_wait3A, %dma_wait3A_21, %dma_wait3A_22, %dma_wait3A_23] : memref<2x5x128x64xf32, #tpu.memory_space<vmem>> -> memref<1x5x128x64xf32, #tpu.memory_space<vmem>>
    %dma_wait3A_25 = tpu.memref_squeeze %dma_wait3A_24 : memref<1x5x128x64xf32, #tpu.memory_space<vmem>> -> memref<5x128x64xf32, #tpu.memory_space<vmem>>
    tpu.wait_dma2 semaphore(%arg8 : memref<!tpu.dma_semaphore, #tpu.memory_space<semaphore_mem>>) src(%dma_wait3A_25 : memref<5x128x64xf32, #tpu.memory_space<vmem>>) dst(%dma_wait3A_20 : memref<5x128x64xf32, #tpu.memory_space<hbm>>)
    %add3A_26 = arith.constant 5 : i32
    %add3A_27 = arith.addi %mul3A_2, %add3A_26 : i32
    %dma_wait3A_28 = arith.constant 1 : i32
    %dma_wait3A_29 = arith.constant 0 : i32
    %dma_wait3A_30 = arith.constant 0 : i32
    %dma_wait3A_31 = arith.constant 0 : i32
    %dma_wait3A_32 = tpu.memref_slice %arg6[%dma_wait3A_28, %dma_wait3A_29, %dma_wait3A_30, %dma_wait3A_31] : memref<2x5x128x64xf32, #tpu.memory_space<vmem>> -> memref<1x5x128x64xf32, #tpu.memory_space<vmem>>
    %dma_wait3A_33 = tpu.memref_squeeze %dma_wait3A_32 : memref<1x5x128x64xf32, #tpu.memory_space<vmem>> -> memref<5x128x64xf32, #tpu.memory_space<vmem>>
    %dma_wait3A_34 = arith.constant 0 : i32
    %dma_wait3A_35 = arith.constant 0 : i32
    %dma_wait3A_36 = tpu.memref_slice %arg4[%add3A_27, %dma_wait3A_34, %dma_wait3A_35] : memref<1280x128x64xf32, #tpu.memory_space<hbm>> -> memref<5x128x64xf32, #tpu.memory_space<hbm>>
    %dma_wait3A_37 = arith.constant 0 : i32
    %dma_wait3A_38 = arith.constant 0 : i32
    %dma_wait3A_39 = tpu.memref_slice %arg4[%add3A_27, %dma_wait3A_37, %dma_wait3A_38] : memref<1280x128x64xf32, #tpu.memory_space<hbm>> -> memref<5x128x64xf32, #tpu.memory_space<hbm>>
    %dma_wait3A_40 = arith.constant 0 : i32
    %dma_wait3A_41 = arith.constant 0 : i32
    %dma_wait3A_42 = arith.constant 0 : i32
    %dma_wait3A_43 = tpu.memref_slice %arg6[%dma_wait3A_28, %dma_wait3A_40, %dma_wait3A_41, %dma_wait3A_42] : memref<2x5x128x64xf32, #tpu.memory_space<vmem>> -> memref<1x5x128x64xf32, #tpu.memory_space<vmem>>
    %dma_wait3A_44 = tpu.memref_squeeze %dma_wait3A_43 : memref<1x5x128x64xf32, #tpu.memory_space<vmem>> -> memref<5x128x64xf32, #tpu.memory_space<vmem>>
    tpu.wait_dma2 semaphore(%arg8 : memref<!tpu.dma_semaphore, #tpu.memory_space<semaphore_mem>>) src(%dma_wait3A_44 : memref<5x128x64xf32, #tpu.memory_space<vmem>>) dst(%dma_wait3A_39 : memref<5x128x64xf32, #tpu.memory_space<hbm>>)
    return
  }
}

module attributes {stable_mosaic.version = 14 : i64} {
  func.func @body(%arg0: i32, %arg1: memref<4096x128xf32, #tpu.memory_space<vmem>>, %arg2: memref<1x4096x128xf32, #tpu.memory_space<vmem>>, %arg3: memref<128x128xf32, #tpu.memory_space<vmem>>, %arg4: memref<128x128xf32, #tpu.memory_space<vmem>>, %arg5: memref<1x128xf32, #tpu.memory_space<vmem>>, %arg6: memref<128x64xf32, #tpu.memory_space<vmem>>, %arg7: memref<1x64xf32, #tpu.memory_space<vmem>>, %arg8: memref<64x2xf32, #tpu.memory_space<vmem>>, %arg9: memref<1x2xf32, #tpu.memory_space<vmem>>, %arg10: memref<4096x128xf32, #tpu.memory_space<vmem>>, %arg11: memref<4096x128xf32, #tpu.memory_space<vmem>>) attributes {dimension_semantics = [#tpu.dimension_semantics<arbitrary>], iteration_bounds = array<i64: 20>, scalar_prefetch = 0 : i64, scratch_operands = 1 : i64, tpu.core_type = #tpu.core_type<tc>, window_params = [{pipeline_mode = #tpu.pipeline_mode<synchronous>, transform_indices = @transform_0, window_bounds = array<i64: 4096, 128>}, {transform_indices = @transform_1, window_bounds = array<i64: 1, 4096, 128>}, {pipeline_mode = #tpu.pipeline_mode<synchronous>, transform_indices = @transform_2, window_bounds = array<i64: 128, 128>}, {pipeline_mode = #tpu.pipeline_mode<synchronous>, transform_indices = @transform_3, window_bounds = array<i64: 128, 128>}, {pipeline_mode = #tpu.pipeline_mode<synchronous>, transform_indices = @transform_4, window_bounds = array<i64: 1, 128>}, {pipeline_mode = #tpu.pipeline_mode<synchronous>, transform_indices = @transform_5, window_bounds = array<i64: 128, 64>}, {pipeline_mode = #tpu.pipeline_mode<synchronous>, transform_indices = @transform_6, window_bounds = array<i64: 1, 64>}, {pipeline_mode = #tpu.pipeline_mode<synchronous>, transform_indices = @transform_7, window_bounds = array<i64: 64, 2>}, {pipeline_mode = #tpu.pipeline_mode<synchronous>, transform_indices = @transform_8, window_bounds = array<i64: 1, 2>}, {pipeline_mode = #tpu.pipeline_mode<synchronous>, transform_indices = @transform_9, window_bounds = array<i64: 4096, 128>}]} {
    %eq3A = arith.constant 0 : i32
    %eq3A_0 = arith.cmpi eq, %arg0, %eq3A : i32
    %convert_element_type3A = arith.extui %eq3A_0 : i1 to i32
    %cond3A = arith.constant 0 : i32
    %cond3A_1 = arith.cmpi ne, %convert_element_type3A, %cond3A : i32
    scf.if %cond3A_1 {
      %get3A_59 = arith.constant 0 : index
      %get3A_60 = arith.constant 0 : index
      %get3A_61 = vector.load %arg1[%get3A_59, %get3A_60] : memref<4096x128xf32, #tpu.memory_space<vmem>>, vector<4096x128xf32>
      %get3A_62 = arith.constant 0 : index
      %get3A_63 = arith.constant 0 : index
      %get3A_64 = vector.load %arg3[%get3A_62, %get3A_63] : memref<128x128xf32, #tpu.memory_space<vmem>>, vector<128x128xf32>
      %dot_general3A_65 = arith.constant dense<0.000000e+00> : vector<4096x128xf32>
      %dot_general3A_66 = tpu.matmul %get3A_61, %get3A_64, %dot_general3A_65 {dimension_numbers = #tpu.dot_dimension_numbers<[1], [0], [0], [1], [0, 0, 1, 1], [], []>, transpose_lhs_hint = false} : vector<4096x128xf32>, vector<128x128xf32>, vector<4096x128xf32> -> vector<4096x128xf32>
      %swap3A_67 = arith.constant 0 : index
      %swap3A_68 = arith.constant 0 : index
      %swap3A_69 = vector.load %arg11[%swap3A_67, %swap3A_68] : memref<4096x128xf32, #tpu.memory_space<vmem>>, vector<4096x128xf32>
      tpu.vector_store %arg11[%swap3A_67, %swap3A_68], %dot_general3A_66 {strides = array<i32>} : memref<4096x128xf32, #tpu.memory_space<vmem>>, vector<4096x128xf32>,
      %broadcast_in_dim3A = arith.constant 0.000000e+00 : f32
      %broadcast_in_dim3A_70 = vector.broadcast %broadcast_in_dim3A : f32 to vector<4096x128xf32>
      %swap3A_71 = arith.constant 0 : index
      %swap3A_72 = arith.constant 0 : index
      %swap3A_73 = vector.load %arg10[%swap3A_71, %swap3A_72] : memref<4096x128xf32, #tpu.memory_space<vmem>>, vector<4096x128xf32>
      tpu.vector_store %arg10[%swap3A_71, %swap3A_72], %broadcast_in_dim3A_70 {strides = array<i32>} : memref<4096x128xf32, #tpu.memory_space<vmem>>, vector<4096x128xf32>,
    } else {
    }
    %get3A = arith.constant 0 : index
    %get3A_2 = arith.constant 0 : index
    %get3A_3 = vector.load %arg11[%get3A, %get3A_2] : memref<4096x128xf32, #tpu.memory_space<vmem>>, vector<4096x128xf32>
    %get3A_4 = arith.constant 0 : index
    %get3A_5 = arith.constant 0 : index
    %get3A_6 = arith.constant 0 : index
    %get3A_7 = vector.load %arg2[%get3A_4, %get3A_5, %get3A_6] : memref<1x4096x128xf32, #tpu.memory_space<vmem>>, vector<1x4096x128xf32>
    %get3A_8 = vector.shape_cast %get3A_7 : vector<1x4096x128xf32> to vector<4096x128xf32>
    %get3A_9 = arith.constant 0 : index
    %get3A_10 = arith.constant 0 : index
    %get3A_11 = vector.load %arg4[%get3A_9, %get3A_10] : memref<128x128xf32, #tpu.memory_space<vmem>>, vector<128x128xf32>
    %dot_general3A = arith.constant dense<0.000000e+00> : vector<4096x128xf32>
    %dot_general3A_12 = tpu.matmul %get3A_8, %get3A_11, %dot_general3A {dimension_numbers = #tpu.dot_dimension_numbers<[1], [0], [0], [1], [0, 0, 1, 1], [], []>, transpose_lhs_hint = false} : vector<4096x128xf32>, vector<128x128xf32>, vector<4096x128xf32> -> vector<4096x128xf32>
    %add3A = arith.addf %get3A_3, %dot_general3A_12 : vector<4096x128xf32>
    %get3A_13 = arith.constant 0 : index
    %get3A_14 = arith.constant 0 : index
    %get3A_15 = vector.load %arg5[%get3A_13, %get3A_14] : memref<1x128xf32, #tpu.memory_space<vmem>>, vector<1x128xf32>
    %add3A_16 = vector.broadcast %get3A_15 : vector<1x128xf32> to vector<4096x128xf32>
    %add3A_17 = arith.addf %add3A, %add3A_16 : vector<4096x128xf32>
    %max3A = arith.constant 0.000000e+00 : f32
    %max3A_18 = vector.broadcast %max3A : f32 to vector<4096x128xf32>
    %max3A_19 = arith.maximumf %add3A_17, %max3A_18 : vector<4096x128xf32>
    %get3A_20 = arith.constant 0 : index
    %get3A_21 = arith.constant 0 : index
    %get3A_22 = vector.load %arg6[%get3A_20, %get3A_21] : memref<128x64xf32, #tpu.memory_space<vmem>>, vector<128x64xf32>
    %dot_general3A_23 = arith.constant dense<0.000000e+00> : vector<4096x64xf32>
    %dot_general3A_24 = tpu.matmul %max3A_19, %get3A_22, %dot_general3A_23 {dimension_numbers = #tpu.dot_dimension_numbers<[1], [0], [0], [1], [0, 0, 1, 1], [], []>, transpose_lhs_hint = false} : vector<4096x128xf32>, vector<128x64xf32>, vector<4096x64xf32> -> vector<4096x64xf32>
    %get3A_25 = arith.constant 0 : index
    %get3A_26 = arith.constant 0 : index
    %get3A_27 = vector.load %arg7[%get3A_25, %get3A_26] : memref<1x64xf32, #tpu.memory_space<vmem>>, vector<1x64xf32>
    %add3A_28 = vector.broadcast %get3A_27 : vector<1x64xf32> to vector<4096x64xf32>
    %add3A_29 = arith.addf %dot_general3A_24, %add3A_28 : vector<4096x64xf32>
    %max3A_30 = arith.constant 0.000000e+00 : f32
    %max3A_31 = vector.broadcast %max3A_30 : f32 to vector<4096x64xf32>
    %max3A_32 = arith.maximumf %add3A_29, %max3A_31 : vector<4096x64xf32>
    %get3A_33 = arith.constant 0 : index
    %get3A_34 = arith.constant 0 : index
    %get3A_35 = vector.load %arg8[%get3A_33, %get3A_34] : memref<64x2xf32, #tpu.memory_space<vmem>>, vector<64x2xf32>
    %dot_general3A_36 = arith.constant dense<0.000000e+00> : vector<4096x2xf32>
    %dot_general3A_37 = tpu.matmul %max3A_32, %get3A_35, %dot_general3A_36 {dimension_numbers = #tpu.dot_dimension_numbers<[1], [0], [0], [1], [0, 0, 1, 1], [], []>, transpose_lhs_hint = false} : vector<4096x64xf32>, vector<64x2xf32>, vector<4096x2xf32> -> vector<4096x2xf32>
    %get3A_38 = arith.constant 0 : index
    %get3A_39 = arith.constant 0 : index
    %get3A_40 = vector.load %arg9[%get3A_38, %get3A_39] : memref<1x2xf32, #tpu.memory_space<vmem>>, vector<1x2xf32>
    %add3A_41 = vector.broadcast %get3A_40 : vector<1x2xf32> to vector<4096x2xf32>
    %add3A_42 = arith.addf %dot_general3A_37, %add3A_41 : vector<4096x2xf32>
    %iota3A = tpu.iota {dimensions = array<i32: 0>} : vector<2x128xi32>
    %iota3A_43 = tpu.iota {dimensions = array<i32: 1>} : vector<2x128xi32>
    %mul3A = arith.constant 64 : i32
    %mul3A_44 = vector.broadcast %mul3A : i32 to vector<2x128xi32>
    %mul3A_45 = arith.muli %iota3A, %mul3A_44 : vector<2x128xi32>
    %add3A_46 = vector.broadcast %arg0 : i32 to vector<2x128xi32>
    %add3A_47 = arith.addi %mul3A_45, %add3A_46 : vector<2x128xi32>
    %eq3A_48 = arith.cmpi eq, %iota3A_43, %add3A_47 : vector<2x128xi32>
    %convert_element_type3A_49 = arith.extui %eq3A_48 : vector<2x128xi1> to vector<2x128xi32>
    %convert_element_type3A_50 = arith.sitofp %convert_element_type3A_49 : vector<2x128xi32> to vector<2x128xf32>
    %get3A_51 = arith.constant 0 : index
    %get3A_52 = arith.constant 0 : index
    %get3A_53 = vector.load %arg10[%get3A_51, %get3A_52] : memref<4096x128xf32, #tpu.memory_space<vmem>>, vector<4096x128xf32>
    %dot_general3A_54 = arith.constant dense<0.000000e+00> : vector<4096x128xf32>
    %dot_general3A_55 = tpu.matmul %add3A_42, %convert_element_type3A_50, %dot_general3A_54 {dimension_numbers = #tpu.dot_dimension_numbers<[1], [0], [0], [1], [0, 0, 1, 1], [], []>, transpose_lhs_hint = false} : vector<4096x2xf32>, vector<2x128xf32>, vector<4096x128xf32> -> vector<4096x128xf32>
    %add3A_56 = arith.addf %get3A_53, %dot_general3A_55 : vector<4096x128xf32>
    %swap3A = arith.constant 0 : index
    %swap3A_57 = arith.constant 0 : index
    %swap3A_58 = vector.load %arg10[%swap3A, %swap3A_57] : memref<4096x128xf32, #tpu.memory_space<vmem>>, vector<4096x128xf32>
    tpu.vector_store %arg10[%swap3A, %swap3A_57], %add3A_56 {strides = array<i32>} : memref<4096x128xf32, #tpu.memory_space<vmem>>, vector<4096x128xf32>,
    return
  }
  func.func @transform_0(%arg0: i32) -> (i32, i32) {
    %c0_i32 = arith.constant 0 : i32
    %c0_i32_0 = arith.constant 0 : i32
    %c0_i32_1 = arith.constant 0 : i32
    return %c0_i32, %c0_i32_0 : i32, i32
  }
  func.func @transform_1(%arg0: i32) -> (i32, i32, i32) {
    %c0_i32 = arith.constant 0 : i32
    %c0_i32_0 = arith.constant 0 : i32
    %c0_i32_1 = arith.constant 0 : i32
    return %arg0, %c0_i32, %c0_i32_0 : i32, i32, i32
  }
  func.func @transform_2(%arg0: i32) -> (i32, i32) {
    %c0_i32 = arith.constant 0 : i32
    %c0_i32_0 = arith.constant 0 : i32
    %c0_i32_1 = arith.constant 0 : i32
    return %c0_i32, %c0_i32_0 : i32, i32
  }
  func.func @transform_3(%arg0: i32) -> (i32, i32) {
    %c0_i32 = arith.constant 0 : i32
    %c0_i32_0 = arith.constant 0 : i32
    %c0_i32_1 = arith.constant 0 : i32
    return %c0_i32, %c0_i32_0 : i32, i32
  }
  func.func @transform_4(%arg0: i32) -> (i32, i32) {
    %c0_i32 = arith.constant 0 : i32
    %c0_i32_0 = arith.constant 0 : i32
    %c0_i32_1 = arith.constant 0 : i32
    return %c0_i32, %c0_i32_0 : i32, i32
  }
  func.func @transform_5(%arg0: i32) -> (i32, i32) {
    %c0_i32 = arith.constant 0 : i32
    %c0_i32_0 = arith.constant 0 : i32
    %c0_i32_1 = arith.constant 0 : i32
    return %c0_i32, %c0_i32_0 : i32, i32
  }
  func.func @transform_6(%arg0: i32) -> (i32, i32) {
    %c0_i32 = arith.constant 0 : i32
    %c0_i32_0 = arith.constant 0 : i32
    %c0_i32_1 = arith.constant 0 : i32
    return %c0_i32, %c0_i32_0 : i32, i32
  }
  func.func @transform_7(%arg0: i32) -> (i32, i32) {
    %c0_i32 = arith.constant 0 : i32
    %c0_i32_0 = arith.constant 0 : i32
    %c0_i32_1 = arith.constant 0 : i32
    return %c0_i32, %c0_i32_0 : i32, i32
  }
  func.func @transform_8(%arg0: i32) -> (i32, i32) {
    %c0_i32 = arith.constant 0 : i32
    %c0_i32_0 = arith.constant 0 : i32
    %c0_i32_1 = arith.constant 0 : i32
    return %c0_i32, %c0_i32_0 : i32, i32
  }
  func.func @transform_9(%arg0: i32) -> (i32, i32) {
    %c0_i32 = arith.constant 0 : i32
    %c0_i32_0 = arith.constant 0 : i32
    %c0_i32_1 = arith.constant 0 : i32
    return %c0_i32, %c0_i32_0 : i32, i32
  }
}

</mosaic_0001>

<sc_bundles>
// kernel: kernel.6.cloned.1.call-start
scs
__scs_entry_jumppad:
0x0: {  	(pc) =	sbr.rel $0x88, $3  }
0x1: {  	(tag) =	ssettag $0x0;
	lr =	simm.s32 $0x1  }
0x2: {  	[smem:$0x3F98] =	sst lr;
	_ =	strace $0xD0000000  }
0x3: {  	_ = 	snop  }
0x4: {  	_ = 	snop  }
0x5: {  	_ = 	snop  }
0x6: {  	_ = 	snop  }
0x7: {  	_ = 	snop  }
__scs_overlays_trampoline_lowered:
0x8: {  	[smem:$0x3FA7] =	sst s0  }
0x9: {  	[smem:$0x3FA8] =	sst s1  }
0xa: {  	[smem:$0x3FA9] =	sst s2  }
0xb: {  	[smem:$0x3FAA] =	sst s3  }
0xc: {  	[smem:$0x3FAB] =	sst s4  }
0xd: {  	[smem:$0x3FAC] =	sst s5  }
0xe: {  	[smem:$0x3FAD] =	sst s6  }
0xf: {  	[smem:$0x3FAE] =	sst s7  }
0x10: {  	[smem:$0x3FAF] =	sst s8  }
0x11: {  	[smem:$0x3FB0] =	sst s9;
	s0 =	simm.s32 @!p0 $0x0  }
0x12: {  	s1 =	sld [smem:$0x3F96];
	s0 =	simm.s32 @p0 $0x1  }
0x13: {  	[smem:$0x3FB1] =	sst s0;
	s0 =	simm.s32 @!p1 $0x0  }
0x14: {  	s2 =	sld [smem:$0x3F95];
	s0 =	simm.s32 @p1 $0x1  }
0x15: {  	[smem:$0x3FB2] =	sst s0;
	s0 =	simm.s32 @!p2 $0x0  }
0x16: {  	s3 =	sld [smem:$0x3FDB];
	s0 =	simm.s32 @p2 $0x1  }
0x17: {  	s4 =	simm.s32 $0x1BF5;
	[smem:$0x3FB4] =	sst s0  }
0x18: {  	s0 =	sld [smem:$0x3F97];
	_ =	swait.ge [sflag:s4], $0x0  }
0x19: {  	s7 =	sld [smem:$0x3F98]  }
0x1a: {  	s8 =	sadd.s32 $0xFFFFE003, lr  }
0x1b: {  	s9 =	sadd.s32 $0xFFFFFEF7, lr;
	s5 =	simm.s32 $0xFFFFFFFF;
	p2 =	slt.u32 s8, $0xFFFFF086  }
0x1c: {  	p1 =	slt.u32 s9, $0xF7A;
	s5 =	simm.s32 @!p2 $0x0  }
0x1d: {  	s5 =	simm.s32 @p1 $0x1;
	p0 =	seq.s32 s7, s2  }
0x1e: {  	s7 =	smul.u32 @!p0 $0xF7A, s2;
	p2 =	seq.s32 @!p0 s5, $0x0  }
0x1f: {  	s9 =	smul.u32 $0xF7A, s1;
	s8 =	simm.s32 @!p0 $0x1BF5;
	p2 =	por !p2, p0  }
0x20: {  	[sflag:s8] =	ssyncset.s32 @!p0 $0xFFFFF086;
	s6 =	sadd.s32 @!p0 s3, s7;
	s7 =	simm.s32 @!p0 $0x108  }
0x21: {  	s3 =	sadd.s32 s3, s9;
	s6 =	sadd.s32 @!p0 $0x88, s6;
	s7 =	simm.s32 @p2 $0x1082  }
0x22: {  	[simem:s7], [sflag:s8] =	dma.local @!p0 [hbm:s6], $0xF7A  }
0x23: {  	s9 =	sor.u32 $0xD0000000, s2;
	s6 =	simm.s32 $0x108;
	_ =	swait.ge @!p0 [sflag:s8], $0x0  }
0x24: {  	s3 =	sadd.s32 $0x88, s3;
	s6 =	simm.s32 @!p1 $0x1082;
	[sflag:s4] =	ssyncset.s32 $0xFFFFF086  }
0x25: {  	[simem:s6], [sflag:s4] =	dma.local [hbm:s3], $0xF7A  }
0x26: {  	[smem:$0x3F98] =	sst s1;
	(tag) =	ssettag s2;
	_ =	strace s9  }
0x27: {  	s1 =	sld [smem:$0x3FA8]  }
0x28: {  	s2 =	sld [smem:$0x3FA9]  }
0x29: {  	s4 =	sld [smem:$0x3FAB]  }
0x2a: {  	p0 =	seq.s32 s5, $0x0;
	s5 =	sld [smem:$0x3FAC]  }
0x2b: {  	s6 =	sld [smem:$0x3FAD]  }
0x2c: {  	s7 =	sld [smem:$0x3FAE]  }
0x2d: {  	s3 =	simm.s32 $0x108;
	s8 =	sld [smem:$0x3FAF]  }
0x2e: {  	s3 =	simm.s32 @!p0 $0x1082;
	s9 =	sld [smem:$0x3FB0]  }
0x2f: {  	lr =	sadd.s32 s0, s3;
	s0 =	sld [smem:$0x3FA7]  }
0x30: {  	s3 =	sld [smem:$0x3FAA]  }
0x31: {  	[smem:$0x3FB3] =	sst s10  }
0x32: {  	s10 =	sld [smem:$0x3FB1];
	_ =	sdelay $0x3  }
0x33: {  	p0 =	seq.s32 s10, $0x1;
	s10 =	sld [smem:$0x3FB3];
	_ =	sdelay $0x3  }
0x34: {  	[smem:$0x3FB3] =	sst s10  }
0x35: {  	s10 =	sld [smem:$0x3FB2];
	_ =	sdelay $0x3  }
0x36: {  	p1 =	seq.s32 s10, $0x1;
	s10 =	sld [smem:$0x3FB3];
	_ =	sdelay $0x3  }
0x37: {  	[smem:$0x3FB3] =	sst s10  }
0x38: {  	s10 =	sld [smem:$0x3FB4]  }
0x39: {  	_ = 	snop;
	(pc) =	sbr.ind lr, $3  }
0x3a: {  	_ = 	snop  }
0x3b: {  	_ = 	snop  }
0x3c: {  	p2 =	seq.s32 s10, $0x1;
	s10 =	sld [smem:$0x3FB3]  }
0x3d: {  	_ =	shalt  }
0x3e: {  	_ =	shalt  }
0x3f: {  	_ =	shalt  }
0x40: {  	_ =	shalt  }
0x41: {  	_ =	shalt  }
0x42: {  	_ =	shalt  }
0x43: {  	_ =	shalt  }
0x44: {  	_ =	shalt  }
0x45: {  	_ =	shalt  }
0x46: {  	_ =	shalt  }
0x47: {  	_ =	shalt  }
0x48: {  	_ =	shalt  }
0x49: {  	_ =	shalt  }
0x4a: {  	_ =	shalt  }
0x4b: {  	_ =	shalt  }
0x4c: {  	_ =	shalt  }
0x4d: {  	_ =	shalt  }
0x4e: {  	_ =	shalt  }
0x4f: {  	_ =	shalt  }
0x50: {  	_ =	shalt  }
0x51: {  	_ =	shalt  }
0x52: {  	_ =	shalt  }
0x53: {  	_ =	shalt  }
0x54: {  	_ =	shalt  }
0x55: {  	_ =	shalt  }
0x56: {  	_ =	shalt  }
0x57: {  	_ =	shalt  }
0x58: {  	_ =	shalt  }
0x59: {  	_ =	shalt  }
0x5a: {  	_ =	shalt  }
0x5b: {  	_ =	shalt  }
0x5c: {  	_ =	shalt  }
0x5d: {  	_ =	shalt  }
0x5e: {  	_ =	shalt  }
0x5f: {  	_ =	shalt  }
0x60: {  	_ =	shalt  }
0x61: {  	_ =	shalt  }
0x62: {  	_ =	shalt  }
0x63: {  	_ =	shalt  }
0x64: {  	_ =	shalt  }
0x65: {  	_ =	shalt  }
0x66: {  	_ =	shalt  }
0x67: {  	_ =	shalt  }
0x68: {  	_ =	shalt  }
0x69: {  	_ =	shalt  }
0x6a: {  	_ =	shalt  }
0x6b: {  	_ =	shalt  }
0x6c: {  	_ =	shalt  }
0x6d: {  	_ =	shalt  }
0x6e: {  	_ =	shalt  }
0x6f: {  	_ =	shalt  }
0x70: {  	_ =	shalt  }
0x71: {  	_ =	shalt  }
0x72: {  	_ =	shalt  }
0x73: {  	_ =	shalt  }
0x74: {  	_ =	shalt  }
0x75: {  	_ =	shalt  }
0x76: {  	_ =	shalt  }
0x77: {  	_ =	shalt  }
0x78: {  	_ =	shalt  }
0x79: {  	_ =	shalt  }
0x7a: {  	_ =	shalt  }
0x7b: {  	_ =	shalt  }
0x7c: {  	_ =	shalt  }
0x7d: {  	_ =	shalt  }
0x7e: {  	_ =	shalt  }
0x7f: {  	_ =	shalt  }
0x80: {  	_ =	shalt  }
0x81: {  	_ =	shalt  }
0x82: {  	_ =	shalt  }
0x83: {  	_ =	shalt  }
0x84: {  	_ =	shalt  }
0x85: {  	_ =	shalt  }
0x86: {  	_ =	shalt  }
0x87: {  	_ =	shalt  }
.Lfunc_end0:
.L_simem_size_0:
called_computation_lowered:
.L_overlay_start_0:
0x88: {  	s2 =	sld [smem:$0x3FD9]  }
0x89: {  	s3 =	sld [smem:$0x3FFE];
	_ =	sdelay $0x1  }
0x8a: {  	s1 =	srdreg.scid  }
0x8b: {  	s0 =	sand.u32 $0x1, s1  }
0x8c: {  	s16 =	sshll.u32 s0, $0xA;
	s2 =	sadd.s32 s3, s2  }
0x8d: {  	s2 =	sadd.s32 s2, s16  }
0x8e: {  	[smem:$0x3FBF] =	sst s2  }
0x8f: {  	_ = 	snop  }
0x90: {  	(tm) =	ssettm $0x1  }
0x91: {  	s17 =	sld [smem:$0x3FFB];
	_ =	sdelay $0x3  }
0x92: {  	_ =	strace s17  }
0x93: {  	s2 =	sld [smem:$0x3FFC];
	_ =	sdelay $0x3  }
0x94: {  	_ =	strace s2  }
0x95: {  	s2 =	sld [smem:$0x3FFD];
	_ =	sdelay $0x3  }
0x96: {  	_ =	strace s2  }
0x97: {  	_ =	strace $0x8FFFFFFF  }
0x98: {  	s18 =	sld [smem:$0x3FDB];
	_ =	sdelay $0x1  }
0x99: {  	s19 =	simm.s32 $_scs_section_size  }
0x9a: {  	s4 =	simm.s32 $_size__tile_overlayer_lowered;
	s5 =	simm.s32 $_tile_overlayer_lowered  }
0x9b: {  	s22 =	simm.s32 $0x1BFF;
	s21 =	sshll.u32 s5, $0x1;
	s2 =	sadd.s32 s19, s18  }
0x9c: {  	s6 =	simm.s32 $0x0;
	s20 =	sshll.u32 s4, $0x1;
	s4 =	sadd.s32 s21, s2  }
0x9d: {  	[timem:s6], [sflag:s22] =	dma.local [hbm:s4], s20  }
0x9e: {  	_ =	swait.ge [sflag:s22], s20  }
0x9f: {  	s3 =	ssub.s32 $0x0, s20;
	[sflag:s22] =	ssyncset.done $0x0  }
0xa0: {  	[sflag:s22] =	ssyncadd.s32 s3;
	_ =	sdelay $0x1  }
0xa1: {  	s23 =	simm.s32 $0x1B8B  }
0xa2: {  	_ =	swait.ge [sflag:s23], $0x1  }
0xa3: {  	[sflag:s23] =	ssyncset.done $0x0  }
0xa4: {  	s25 =	simm.s32 $0x1B8E;
	s24 =	sld [smem:$0x3FFE];
	[sflag:s23] =	ssyncadd.s32 $0xFFFFFFFF  }
0xa5: {  	s26 =	simm.s32 $execute0_lowered;
	[smem:$0x3FD2] =	sst s25  }
0xa6: {  	s4 =	sshll.u32 s26, $0x1;
	_ =	strace $0x80000046;
	[dreg:$0x1] =	wrdreg $0xFFFFFFFF  }
0xa7: {  	s28 =	simm.s32 $_size_execute0_lowered;
	s2 =	sadd.s32 s2, s4;
	[dreg:$0x0] =	wrdreg $0x0  }
0xa8: {  	s4 =	sshll.u32 s28, $0x1;
	[dreg:$0x2] =	wrdreg s2  }
0xa9: {  	[dreg:$0x3] =	wrdreg s4  }
0xaa: {  	[dreg:$0x4] =	wrdreg $0xC0  }
0xab: {  	_ =	task [dreg:s6], $0x5FFFF  }
0xac: {  	[dreg:$0x1] =	wrdreg $0xFFFFFFFF  }
0xad: {  	[dreg:$0x0] =	wrdreg $0x60  }
0xae: {  	[dreg:$0x2] =	wrdreg s24  }
0xaf: {  	[dreg:$0x3] =	wrdreg $0x9  }
0xb0: {  	_ =	task.clear_ibuf [dreg:s6], $0x4FFFF;
	_ =	strace $0x90000046  }
0xb1: {  	s29 =	simm.s32 $0x9;
	_ =	strace $0x80000048  }
0xb2: {  	_ =	swait.ge [sflag:s29], $0x1  }
0xb3: {  	[sflag:s29] =	ssyncadd.s32 $0xFFFFFFFF  }
0xb4: {  	_ =	strace $0x90000048  }
0xb5: {  	_ =	sfence  }
0xb6: {  	s30 =	sld [smem:$0x0];
	_ =	sdelay $0x2  }
0xb7: {  	s31 =	sshll.u32 s1, $0xD;
	s1 =	sshrl.u32 s1, $0x2  }
0xb8: {  	s3 =	sand.u32 $0x4000, s31;
	s1 =	sadd.s32 s1, s30  }
0xb9: {  	s0 =	sor.u32 s3, s0;
	s1 =	sshll.u32 s1, $0x11  }
0xba: {  	s0 =	sor.u32 s1, s0  }
0xbb: {  	s0 =	sadd.s32 $0x8F2B, s0  }
0xbc: {  	[sflag:s0] =	ssyncadd.remote.s32 $0x1  }
0xbd: {  	_ =	sfence.sel $0xFFFF  }
0xbe: {  	[dreg:$0x0] =	wrdreg $0xFFFFFFFF;
	(pc) =	sbr.abs _section_cstart, $3  }
0xbf: {  	[dreg:$0x1] =	wrdreg $0xFFFFFFFF  }
0xc0: {  	_ =	task.clear_ibuf [dreg:s6], $0x2FFFF;
	_ =	strace $0x9FFFFFFF  }
0xc1: {  	(tm) =	ssettm $0x7FFFFFFF  }
tec
execute0_lowered:
.L_overlay_start_1:
0x0: {  	(tag) =	ssettag $0x1  }
0x1: {  	s0 =	rddreg [dreg:$0x0]  }
0x2: {  	s1 =	srdreg.scid;
	s10 =	stileid.u32;
	s2 =	simm.s32 $0x0  }
0x3: {  	s11 =	simm.s32 $0x80;
	s12 =	simm.s32 $0x1400;
	s13 =	simm.s32 $0x3400  }
0x4: {  	s15 =	simm.s32 $0x5400;
	s17 =	simm.s32 $0x7400;
	s19 =	simm.s32 $0x9400  }
0x5: {  	s20 =	simm.s32 $0x1;
	s22 =	simm.s32 $0xB400;
	s28 =	simm.s32 $0x400  }
0x6: {  	s29 =	simm.s32 $0x11400;
	s30 =	simm.s32 $0x480;
	s7 =	smul.u32 $0x50, s10  }
0x7: {  	s31 =	simm.s32 $0x13400;
	s1 =	sand.u32 $0x1, s1;
	s25 =	smul.u32 $0x14000, s10  }
0x8: {  	s3 =	sshll.u32 s10, $0x1;
	[smem:$0x7FF] =	sst s2;
	s9 =	smul.u32 $0x28, s1  }
0x9: {  	s4 =	sor.u32 s1, s3;
	s6 =	ssub.s32 $0x2, s1;
	s1 =	smul.u32 $0xA000, s1  }
0xa: {  	s10 =	simm.s32 $0x3;
	_ =	strace $0x80000047;
	s5 =	smul.u32 $0x280, s4  }
0xb: {  	s3 =	sadd.s32 $0x188800, s0;
	s8 =	sshrl.u32 s6, $0x1;
	s24 =	smul.u32 $0xA000, s4  }
0xc: {  	s6 =	ssub.s32 s6, s8;
	s7 =	sadd.s32 s9, s7;
	s5 =	sadd.s32 s5, s0  }
0xd: {  	s0 =	sadd.s32 $0x6E00, s0;
	s7 =	sshll.u32 s7, $0xA;
	s4 =	sadd.s32 $0x1E00, s5  }
0xe: {  	s5 =	smax.u32 s6, $0x1;
	s6 =	sadd.s32 s0, s24;
	s26 =	sadd.s32 s0, s7  }
0xf: {  	s0 =	sadd.s32 s25, s0;
	s24 =	simm.s32 $0xD400;
	s7 =	sadd.s32 $0x1400, s6  }
0x10: {  	s21 =	sadd.s32 $0x3C00, s26;
	s0 =	sadd.s32 s1, s0;
	s26 =	simm.s32 $0xF400  }
0x11: {  	s1 =	simm.s32 $0x0;
	s9 =	sadd.s32 $0x2800, s0;
	s0 =	simm.s32 $0x2  }
.LBB2_1:
0x12: {  	[tilespmem:s2], [sflag:$0x3] =	stream.linear.gather [hbm4b:s4+s2], $0x1400, $0x38;
	[tilespmem:$0x15400] =	vst v63  }
0x13: {  	_ =	swait.ge [sflag:s10], $0x1400  }
0x14: {  	[sflag:s10] =	ssyncset.done $0x0  }
0x15: {  	[sflag:s10] =	ssyncadd.s32 $0xFFFFEC00  }
0x16: {  	[tilespmem:s12], [sflag:$0x1] =	stream.indirect.gather [hbm4b:s3+s11], $0x40, s2, s11, $0xb8;
	[tilespmem:$0x15400] =	vst v63  }
0x17: {  	_ = 	snop  }
0x18: {  	[tilespmem:s13], [sflag:$0x1] =	stream.indirect.gather [hbm4b:s3+s11], $0x40, s11, s11, $0xb8;
	[tilespmem:$0x15400] =	vst v63  }
0x19: {  	s8 =	simm.s32 $0x100  }
0x1a: {  	[tilespmem:s15], [sflag:$0x1] =	stream.indirect.gather [hbm4b:s3+s11], $0x40, s8, s11, $0xb8;
	[tilespmem:$0x15400] =	vst v63  }
0x1b: {  	s14 =	simm.s32 $0x180  }
0x1c: {  	[tilespmem:s17], [sflag:$0x1] =	stream.indirect.gather [hbm4b:s3+s11], $0x40, s14, s11, $0xb8;
	[tilespmem:$0x15400] =	vst v63  }
0x1d: {  	s16 =	simm.s32 $0x200  }
0x1e: {  	[tilespmem:s19], [sflag:$0x1] =	stream.indirect.gather [hbm4b:s3+s11], $0x40, s16, s11, $0xb8;
	[tilespmem:$0x15400] =	vst v63  }
0x1f: {  	_ =	swait.ge [sflag:s20], $0x2000  }
0x20: {  	[sflag:s20] =	ssyncset.done $0x0  }
0x21: {  	[sflag:s20] =	ssyncadd.s32 $0xFFFFE000  }
0x22: {  	_ =	swait.ge [sflag:s20], $0x2000  }
0x23: {  	[sflag:s20] =	ssyncset.done $0x0  }
0x24: {  	[sflag:s20] =	ssyncadd.s32 $0xFFFFE000  }
0x25: {  	_ =	swait.ge [sflag:s20], $0x2000  }
0x26: {  	[sflag:s20] =	ssyncset.done $0x0  }
0x27: {  	[sflag:s20] =	ssyncadd.s32 $0xFFFFE000  }
0x28: {  	_ =	swait.ge [sflag:s20], $0x2000  }
0x29: {  	[sflag:s20] =	ssyncset.done $0x0  }
0x2a: {  	[sflag:s20] =	ssyncadd.s32 $0xFFFFE000  }
0x2b: {  	_ =	swait.ge [sflag:s20], $0x2000  }
0x2c: {  	[sflag:s20] =	ssyncset.done $0x0  }
0x2d: {  	[sflag:s20] =	ssyncadd.s32 $0xFFFFE000  }
0x2e: {  	[hbm4b:s6+s2] =	stream.linear.scatter [tilespmem:s12], [sflag:$0x2], $0xA000, $0x38;
	[tilespmem:$0x15400] =	vst v63  }
0x2f: {  	s18 =	simm.s32 $0x280  }
0x30: {  	[tilespmem:s22], [sflag:$0x1] =	stream.indirect.gather [hbm4b:s3+s11], $0x40, s18, s11, $0xb8;
	[tilespmem:$0x15400] =	vst v63  }
0x31: {  	s23 =	simm.s32 $0x300  }
0x32: {  	[tilespmem:s24], [sflag:$0x1] =	stream.indirect.gather [hbm4b:s3+s11], $0x40, s23, s11, $0xb8;
	[tilespmem:$0x15400] =	vst v63  }
0x33: {  	s25 =	simm.s32 $0x380  }
0x34: {  	[tilespmem:s26], [sflag:$0x1] =	stream.indirect.gather [hbm4b:s3+s11], $0x40, s25, s11, $0xb8;
	[tilespmem:$0x15400] =	vst v63  }
0x35: {  	_ = 	snop  }
0x36: {  	[tilespmem:s29], [sflag:$0x1] =	stream.indirect.gather [hbm4b:s3+s11], $0x40, s28, s11, $0xb8;
	[tilespmem:$0x15400] =	vst v63  }
0x37: {  	_ = 	snop  }
0x38: {  	[tilespmem:s31], [sflag:$0x1] =	stream.indirect.gather [hbm4b:s3+s11], $0x40, s30, s11, $0xb8;
	[tilespmem:$0x15400] =	vst v63  }
0x39: {  	_ =	swait.ge [sflag:s20], $0x2000  }
0x3a: {  	[sflag:s20] =	ssyncset.done $0x0  }
0x3b: {  	[sflag:s20] =	ssyncadd.s32 $0xFFFFE000  }
0x3c: {  	_ =	swait.ge [sflag:s20], $0x2000  }
0x3d: {  	[sflag:s20] =	ssyncset.done $0x0  }
0x3e: {  	[sflag:s20] =	ssyncadd.s32 $0xFFFFE000  }
0x3f: {  	_ =	swait.ge [sflag:s20], $0x2000  }
0x40: {  	[sflag:s20] =	ssyncset.done $0x0  }
0x41: {  	[sflag:s20] =	ssyncadd.s32 $0xFFFFE000  }
0x42: {  	_ =	swait.ge [sflag:s20], $0x2000  }
0x43: {  	[sflag:s20] =	ssyncset.done $0x0  }
0x44: {  	[sflag:s20] =	ssyncadd.s32 $0xFFFFE000  }
0x45: {  	_ =	swait.ge [sflag:s20], $0x2000  }
0x46: {  	[sflag:s20] =	ssyncset.done $0x0  }
0x47: {  	[sflag:s20] =	ssyncadd.s32 $0xFFFFE000  }
0x48: {  	[hbm4b:s7+s2] =	stream.linear.scatter [tilespmem:s22], [sflag:$0x2], $0xA000, $0x38;
	[tilespmem:$0x15400] =	vst v63  }
0x49: {  	_ =	swait.ge [sflag:s0], $0xA000  }
0x4a: {  	[sflag:s0] =	ssyncset.done $0x0  }
0x4b: {  	s14 =	simm.s32 $0x500;
	[sflag:s0] =	ssyncadd.s32 $0xFFFF6000  }
0x4c: {  	[tilespmem:s12], [sflag:$0x1] =	stream.indirect.gather [hbm4b:s3+s11], $0x40, s14, s11, $0xb8;
	[tilespmem:$0x15400] =	vst v63  }
0x4d: {  	s16 =	simm.s32 $0x580  }
0x4e: {  	[tilespmem:s13], [sflag:$0x1] =	stream.indirect.gather [hbm4b:s3+s11], $0x40, s16, s11, $0xb8;
	[tilespmem:$0x15400] =	vst v63  }
0x4f: {  	s18 =	simm.s32 $0x600  }
0x50: {  	[tilespmem:s15], [sflag:$0x1] =	stream.indirect.gather [hbm4b:s3+s11], $0x40, s18, s11, $0xb8;
	[tilespmem:$0x15400] =	vst v63  }
0x51: {  	s23 =	simm.s32 $0x680  }
0x52: {  	[tilespmem:s17], [sflag:$0x1] =	stream.indirect.gather [hbm4b:s3+s11], $0x40, s23, s11, $0xb8;
	[tilespmem:$0x15400] =	vst v63  }
0x53: {  	s25 =	simm.s32 $0x700  }
0x54: {  	[tilespmem:s19], [sflag:$0x1] =	stream.indirect.gather [hbm4b:s3+s11], $0x40, s25, s11, $0xb8;
	[tilespmem:$0x15400] =	vst v63  }
0x55: {  	_ =	swait.ge [sflag:s20], $0x2000  }
0x56: {  	[sflag:s20] =	ssyncset.done $0x0  }
0x57: {  	[sflag:s20] =	ssyncadd.s32 $0xFFFFE000  }
0x58: {  	_ =	swait.ge [sflag:s20], $0x2000  }
0x59: {  	[sflag:s20] =	ssyncset.done $0x0  }
0x5a: {  	[sflag:s20] =	ssyncadd.s32 $0xFFFFE000  }
0x5b: {  	_ =	swait.ge [sflag:s20], $0x2000  }
0x5c: {  	[sflag:s20] =	ssyncset.done $0x0  }
0x5d: {  	[sflag:s20] =	ssyncadd.s32 $0xFFFFE000  }
0x5e: {  	_ =	swait.ge [sflag:s20], $0x2000  }
0x5f: {  	[sflag:s20] =	ssyncset.done $0x0  }
0x60: {  	[sflag:s20] =	ssyncadd.s32 $0xFFFFE000  }
0x61: {  	_ =	swait.ge [sflag:s20], $0x2000  }
0x62: {  	[sflag:s20] =	ssyncset.done $0x0  }
0x63: {  	[sflag:s20] =	ssyncadd.s32 $0xFFFFE000  }
0x64: {  	[hbm4b:s9+s2] =	stream.linear.scatter [tilespmem:s12], [sflag:$0x2], $0xA000, $0x38;
	[tilespmem:$0x15400] =	vst v63  }
0x65: {  	_ =	swait.ge [sflag:s0], $0xA000  }
0x66: {  	[sflag:s0] =	ssyncset.done $0x0  }
0x67: {  	s14 =	simm.s32 $0x780;
	[sflag:s0] =	ssyncadd.s32 $0xFFFF6000  }
0x68: {  	[tilespmem:s22], [sflag:$0x1] =	stream.indirect.gather [hbm4b:s3+s11], $0x40, s14, s11, $0xb8;
	[tilespmem:$0x15400] =	vst v63  }
0x69: {  	s16 =	simm.s32 $0x800  }
0x6a: {  	[tilespmem:s24], [sflag:$0x1] =	stream.indirect.gather [hbm4b:s3+s11], $0x40, s16, s11, $0xb8;
	[tilespmem:$0x15400] =	vst v63  }
0x6b: {  	s18 =	simm.s32 $0x880  }
0x6c: {  	[tilespmem:s26], [sflag:$0x1] =	stream.indirect.gather [hbm4b:s3+s11], $0x40, s18, s11, $0xb8;
	[tilespmem:$0x15400] =	vst v63  }
0x6d: {  	s23 =	simm.s32 $0x900  }
0x6e: {  	[tilespmem:s29], [sflag:$0x1] =	stream.indirect.gather [hbm4b:s3+s11], $0x40, s23, s11, $0xb8;
	[tilespmem:$0x15400] =	vst v63  }
0x6f: {  	s25 =	simm.s32 $0x980  }
0x70: {  	[tilespmem:s31], [sflag:$0x1] =	stream.indirect.gather [hbm4b:s3+s11], $0x40, s25, s11, $0xb8;
	[tilespmem:$0x15400] =	vst v63  }
0x71: {  	_ =	swait.ge [sflag:s20], $0x2000  }
0x72: {  	[sflag:s20] =	ssyncset.done $0x0  }
0x73: {  	[sflag:s20] =	ssyncadd.s32 $0xFFFFE000  }
0x74: {  	_ =	swait.ge [sflag:s20], $0x2000  }
0x75: {  	[sflag:s20] =	ssyncset.done $0x0  }
0x76: {  	[sflag:s20] =	ssyncadd.s32 $0xFFFFE000  }
0x77: {  	_ =	swait.ge [sflag:s20], $0x2000  }
0x78: {  	[sflag:s20] =	ssyncset.done $0x0  }
0x79: {  	[sflag:s20] =	ssyncadd.s32 $0xFFFFE000  }
0x7a: {  	_ =	swait.ge [sflag:s20], $0x2000  }
0x7b: {  	[sflag:s20] =	ssyncset.done $0x0  }
0x7c: {  	[sflag:s20] =	ssyncadd.s32 $0xFFFFE000  }
0x7d: {  	_ =	swait.ge [sflag:s20], $0x2000  }
0x7e: {  	s8 =	smov.u32 s21;
	s14 =	simm.s32 $0x1400;
	[sflag:s20] =	ssyncset.done $0x0  }
0x7f: {  	s16 =	sadd.s32 $0x2800, s21;
	s18 =	sadd.s32 $0x2800, s9;
	[sflag:s20] =	ssyncadd.s32 $0xFFFFE000  }
.LBB2_2:
0x80: {  	[hbm4b:s8+s2] =	stream.linear.scatter [tilespmem:s22], [sflag:$0x2], $0xA000, $0x38;
	[tilespmem:$0x15400] =	vst v63  }
0x81: {  	s23 =	smov.u32 s14;
	s8 =	smov.u32 s16  }
0x82: {  	p0 =	sne.s32 s14, $0x2800;
	s14 =	sadd.s32 $0x1400, s14;
	_ =	swait.ge [sflag:s0], $0xA000  }
0x83: {  	s23 =	sshra.s32 s23, $0x2;
	[sflag:s0] =	ssyncset.done $0x0  }
0x84: {  	s25 =	sadd.s32 $0x500, s23;
	[sflag:s0] =	ssyncadd.s32 $0xFFFF6000  }
0x85: {  	[tilespmem:s12], [sflag:$0x1] =	stream.indirect.gather [hbm4b:s3+s11], $0x40, s25, s11, $0xb8;
	[tilespmem:$0x15400] =	vst v63  }
0x86: {  	s25 =	sadd.s32 $0x580, s23  }
0x87: {  	[tilespmem:s13], [sflag:$0x1] =	stream.indirect.gather [hbm4b:s3+s11], $0x40, s25, s11, $0xb8;
	[tilespmem:$0x15400] =	vst v63  }
0x88: {  	s25 =	sadd.s32 $0x600, s23  }
0x89: {  	[tilespmem:s15], [sflag:$0x1] =	stream.indirect.gather [hbm4b:s3+s11], $0x40, s25, s11, $0xb8;
	[tilespmem:$0x15400] =	vst v63  }
0x8a: {  	s25 =	sadd.s32 $0x680, s23  }
0x8b: {  	[tilespmem:s17], [sflag:$0x1] =	stream.indirect.gather [hbm4b:s3+s11], $0x40, s25, s11, $0xb8;
	[tilespmem:$0x15400] =	vst v63  }
0x8c: {  	s25 =	sadd.s32 $0x700, s23  }
0x8d: {  	[tilespmem:s19], [sflag:$0x1] =	stream.indirect.gather [hbm4b:s3+s11], $0x40, s25, s11, $0xb8;
	[tilespmem:$0x15400] =	vst v63  }
0x8e: {  	_ =	swait.ge [sflag:s20], $0x2000  }
0x8f: {  	[sflag:s20] =	ssyncset.done $0x0  }
0x90: {  	[sflag:s20] =	ssyncadd.s32 $0xFFFFE000  }
0x91: {  	_ =	swait.ge [sflag:s20], $0x2000  }
0x92: {  	[sflag:s20] =	ssyncset.done $0x0  }
0x93: {  	[sflag:s20] =	ssyncadd.s32 $0xFFFFE000  }
0x94: {  	_ =	swait.ge [sflag:s20], $0x2000  }
0x95: {  	[sflag:s20] =	ssyncset.done $0x0  }
0x96: {  	[sflag:s20] =	ssyncadd.s32 $0xFFFFE000  }
0x97: {  	_ =	swait.ge [sflag:s20], $0x2000  }
0x98: {  	[sflag:s20] =	ssyncset.done $0x0  }
0x99: {  	[sflag:s20] =	ssyncadd.s32 $0xFFFFE000  }
0x9a: {  	_ =	swait.ge [sflag:s20], $0x2000  }
0x9b: {  	[sflag:s20] =	ssyncset.done $0x0  }
0x9c: {  	[sflag:s20] =	ssyncadd.s32 $0xFFFFE000  }
0x9d: {  	[hbm4b:s18+s2] =	stream.linear.scatter [tilespmem:s12], [sflag:$0x2], $0xA000, $0x38;
	[tilespmem:$0x15400] =	vst v63  }
0x9e: {  	_ =	swait.ge [sflag:s0], $0xA000  }
0x9f: {  	[sflag:s0] =	ssyncset.done $0x0  }
0xa0: {  	s25 =	sadd.s32 $0x780, s23;
	[sflag:s0] =	ssyncadd.s32 $0xFFFF6000  }
0xa1: {  	[tilespmem:s22], [sflag:$0x1] =	stream.indirect.gather [hbm4b:s3+s11], $0x40, s25, s11, $0xb8;
	[tilespmem:$0x15400] =	vst v63  }
0xa2: {  	s25 =	sadd.s32 $0x800, s23  }
0xa3: {  	[tilespmem:s24], [sflag:$0x1] =	stream.indirect.gather [hbm4b:s3+s11], $0x40, s25, s11, $0xb8;
	[tilespmem:$0x15400] =	vst v63  }
0xa4: {  	s25 =	sadd.s32 $0x880, s23  }
0xa5: {  	[tilespmem:s26], [sflag:$0x1] =	stream.indirect.gather [hbm4b:s3+s11], $0x40, s25, s11, $0xb8;
	[tilespmem:$0x15400] =	vst v63  }
0xa6: {  	s25 =	sadd.s32 $0x900, s23  }
0xa7: {  	[tilespmem:s29], [sflag:$0x1] =	stream.indirect.gather [hbm4b:s3+s11], $0x40, s25, s11, $0xb8;
	[tilespmem:$0x15400] =	vst v63  }
0xa8: {  	s23 =	sadd.s32 $0x980, s23  }
0xa9: {  	[tilespmem:s31], [sflag:$0x1] =	stream.indirect.gather [hbm4b:s3+s11], $0x40, s23, s11, $0xb8;
	[tilespmem:$0x15400] =	vst v63  }
0xaa: {  	_ =	swait.ge [sflag:s20], $0x2000  }
0xab: {  	[sflag:s20] =	ssyncset.done $0x0  }
0xac: {  	[sflag:s20] =	ssyncadd.s32 $0xFFFFE000  }
0xad: {  	_ =	swait.ge [sflag:s20], $0x2000  }
0xae: {  	[sflag:s20] =	ssyncset.done $0x0  }
0xaf: {  	[sflag:s20] =	ssyncadd.s32 $0xFFFFE000  }
0xb0: {  	_ =	swait.ge [sflag:s20], $0x2000  }
0xb1: {  	[sflag:s20] =	ssyncset.done $0x0  }
0xb2: {  	[sflag:s20] =	ssyncadd.s32 $0xFFFFE000  }
0xb3: {  	_ =	swait.ge [sflag:s20], $0x2000  }
.Ltmp0:
0xb4: {  	[sflag:s20] =	ssyncset.done $0x0;
	(pc) =	sbr.rel @p0 .LBB2_2-.Ltmp0, $4  }
0xb5: {  	[sflag:s20] =	ssyncadd.s32 $0xFFFFE000  }
0xb6: {  	_ =	swait.ge [sflag:s20], $0x2000  }
0xb7: {  	[sflag:s20] =	ssyncset.done $0x0  }
0xb8: {  	s16 =	sadd.s32 $0x2800, s16;
	s18 =	sadd.s32 $0x2800, s18;
	[sflag:s20] =	ssyncadd.s32 $0xFFFFE000  }
0xb9: {  	[hbm4b:s8+s2] =	stream.linear.scatter [tilespmem:s22], [sflag:$0x2], $0xA000, $0x38;
	[tilespmem:$0x15400] =	vst v63  }
0xba: {  	s1 =	sadd.s32 $0x1, s1  }
0xbb: {  	_ =	swait.ge [sflag:s0], $0xA000;
	p0 =	sne.s32 s1, s5  }
.Ltmp1:
0xbc: {  	[sflag:s0] =	ssyncset.done $0x0;
	(pc) =	sbr.rel @p0 .LBB2_1-.Ltmp1, $4  }
0xbd: {  	[sflag:s0] =	ssyncadd.s32 $0xFFFF6000  }
0xbe: {  	_ =	swait.ge [sflag:s0], $0xA000  }
0xbf: {  	[sflag:s0] =	ssyncset.done $0x0  }
0xc0: {  	[sflag:s0] =	ssyncadd.s32 $0xFFFF6000  }
0xc1: {  	_ =	sfence.sel $0x180000  }
0xc2: {  	[bflag:$0x0] =	sbarrier.arrive $0xFFFF  }
0xc3: {  	_ =	strace $0x90000047  }
0xc4: {  	s0 =	stileid.u32;
	[bflag:$0x2] =	sbarrier.arrive $0xFFFF  }
0xc5: {  	p0 =	sne.s32 s0, $0x0;
	s0 =	rddreg [dreg:$0x1]  }
0xc6: {  	s0 =	sadd.s32 @!p0 $0x100000, s0  }
0xc7: {  	[sflag:s0] =	ssyncadd.tile.s32 @!p0 $0x1;
	_ =	shalt  }
.Lfunc_end2:
_tile_overlayer_lowered:
.L_overlay_start_2:
0xc8: {  	(tag) =	ssettag $0x2  }
0xc9: {  	s0 =	rddreg [dreg:$0x0];
	s2 =	stileid.u32  }
0xca: {  	s1 =	rddreg [dreg:$0x1];
	p0 =	sne.s32 s2, $0x0  }
0xcb: {  	s3 =	rddreg [dreg:$0x2];
	[bflag:$0x3] =	sbarrier.arrive $0xFFFF;
	s2 =	simm.s32 @!p0 $0x1C03  }
0xcc: {  	[timem:s3], [sflag:s2] =	dma.local @!p0 [hbm:s0], s1  }
0xcd: {  	s0 =	simm.s32 @!p0 $0x3  }
0xce: {  	_ =	swait.ge @!p0 [sflag:s0], s1  }
0xcf: {  	s1 =	ssub.s32 @!p0 $0x0, s1;
	[sflag:s0] =	ssyncset.done @!p0 $0x0  }
0xd0: {  	[sflag:s0] =	ssyncadd.s32 @!p0 s1  }
0xd1: {  	[bflag:$0x3] =	sbarrier.arrive $0xFFFF  }
0xd2: {  	_ =	shalt  }

// kernel: kernel.9.cloned.1.call-start
scs
__scs_entry_jumppad:
0x0: {  	(pc) =	sbr.rel $0x88, $3  }
0x1: {  	(tag) =	ssettag $0x0;
	lr =	simm.s32 $0x1  }
0x2: {  	[smem:$0x3F98] =	sst lr;
	_ =	strace $0xD0000000  }
0x3: {  	_ = 	snop  }
0x4: {  	_ = 	snop  }
0x5: {  	_ = 	snop  }
0x6: {  	_ = 	snop  }
0x7: {  	_ = 	snop  }
__scs_overlays_trampoline_lowered:
0x8: {  	[smem:$0x3FA7] =	sst s0  }
0x9: {  	[smem:$0x3FA8] =	sst s1  }
0xa: {  	[smem:$0x3FA9] =	sst s2  }
0xb: {  	[smem:$0x3FAA] =	sst s3  }
0xc: {  	[smem:$0x3FAB] =	sst s4  }
0xd: {  	[smem:$0x3FAC] =	sst s5  }
0xe: {  	[smem:$0x3FAD] =	sst s6  }
0xf: {  	[smem:$0x3FAE] =	sst s7  }
0x10: {  	[smem:$0x3FAF] =	sst s8  }
0x11: {  	[smem:$0x3FB0] =	sst s9;
	s0 =	simm.s32 @!p0 $0x0  }
0x12: {  	s1 =	sld [smem:$0x3F96];
	s0 =	simm.s32 @p0 $0x1  }
0x13: {  	[smem:$0x3FB1] =	sst s0;
	s0 =	simm.s32 @!p1 $0x0  }
0x14: {  	s2 =	sld [smem:$0x3F95];
	s0 =	simm.s32 @p1 $0x1  }
0x15: {  	[smem:$0x3FB2] =	sst s0;
	s0 =	simm.s32 @!p2 $0x0  }
0x16: {  	s3 =	sld [smem:$0x3FDB];
	s0 =	simm.s32 @p2 $0x1  }
0x17: {  	s4 =	simm.s32 $0x1BF5;
	[smem:$0x3FB4] =	sst s0  }
0x18: {  	s0 =	sld [smem:$0x3F97];
	_ =	swait.ge [sflag:s4], $0x0  }
0x19: {  	s7 =	sld [smem:$0x3F98]  }
0x1a: {  	s8 =	sadd.s32 $0xFFFFE003, lr  }
0x1b: {  	s9 =	sadd.s32 $0xFFFFFEF7, lr;
	s5 =	simm.s32 $0xFFFFFFFF;
	p2 =	slt.u32 s8, $0xFFFFF086  }
0x1c: {  	p1 =	slt.u32 s9, $0xF7A;
	s5 =	simm.s32 @!p2 $0x0  }
0x1d: {  	s5 =	simm.s32 @p1 $0x1;
	p0 =	seq.s32 s7, s2  }
0x1e: {  	s7 =	smul.u32 @!p0 $0xF7A, s2;
	p2 =	seq.s32 @!p0 s5, $0x0  }
0x1f: {  	s9 =	smul.u32 $0xF7A, s1;
	s8 =	simm.s32 @!p0 $0x1BF5;
	p2 =	por !p2, p0  }
0x20: {  	[sflag:s8] =	ssyncset.s32 @!p0 $0xFFFFF086;
	s6 =	sadd.s32 @!p0 s3, s7;
	s7 =	simm.s32 @!p0 $0x108  }
0x21: {  	s3 =	sadd.s32 s3, s9;
	s6 =	sadd.s32 @!p0 $0x88, s6;
	s7 =	simm.s32 @p2 $0x1082  }
0x22: {  	[simem:s7], [sflag:s8] =	dma.local @!p0 [hbm:s6], $0xF7A  }
0x23: {  	s9 =	sor.u32 $0xD0000000, s2;
	s6 =	simm.s32 $0x108;
	_ =	swait.ge @!p0 [sflag:s8], $0x0  }
0x24: {  	s3 =	sadd.s32 $0x88, s3;
	s6 =	simm.s32 @!p1 $0x1082;
	[sflag:s4] =	ssyncset.s32 $0xFFFFF086  }
0x25: {  	[simem:s6], [sflag:s4] =	dma.local [hbm:s3], $0xF7A  }
0x26: {  	[smem:$0x3F98] =	sst s1;
	(tag) =	ssettag s2;
	_ =	strace s9  }
0x27: {  	s1 =	sld [smem:$0x3FA8]  }
0x28: {  	s2 =	sld [smem:$0x3FA9]  }
0x29: {  	s4 =	sld [smem:$0x3FAB]  }
0x2a: {  	p0 =	seq.s32 s5, $0x0;
	s5 =	sld [smem:$0x3FAC]  }
0x2b: {  	s6 =	sld [smem:$0x3FAD]  }
0x2c: {  	s7 =	sld [smem:$0x3FAE]  }
0x2d: {  	s3 =	simm.s32 $0x108;
	s8 =	sld [smem:$0x3FAF]  }
0x2e: {  	s3 =	simm.s32 @!p0 $0x1082;
	s9 =	sld [smem:$0x3FB0]  }
0x2f: {  	lr =	sadd.s32 s0, s3;
	s0 =	sld [smem:$0x3FA7]  }
0x30: {  	s3 =	sld [smem:$0x3FAA]  }
0x31: {  	[smem:$0x3FB3] =	sst s10  }
0x32: {  	s10 =	sld [smem:$0x3FB1];
	_ =	sdelay $0x3  }
0x33: {  	p0 =	seq.s32 s10, $0x1;
	s10 =	sld [smem:$0x3FB3];
	_ =	sdelay $0x3  }
0x34: {  	[smem:$0x3FB3] =	sst s10  }
0x35: {  	s10 =	sld [smem:$0x3FB2];
	_ =	sdelay $0x3  }
0x36: {  	p1 =	seq.s32 s10, $0x1;
	s10 =	sld [smem:$0x3FB3];
	_ =	sdelay $0x3  }
0x37: {  	[smem:$0x3FB3] =	sst s10  }
0x38: {  	s10 =	sld [smem:$0x3FB4]  }
0x39: {  	_ = 	snop;
	(pc) =	sbr.ind lr, $3  }
0x3a: {  	_ = 	snop  }
0x3b: {  	_ = 	snop  }
0x3c: {  	p2 =	seq.s32 s10, $0x1;
	s10 =	sld [smem:$0x3FB3]  }
0x3d: {  	_ =	shalt  }
0x3e: {  	_ =	shalt  }
0x3f: {  	_ =	shalt  }
0x40: {  	_ =	shalt  }
0x41: {  	_ =	shalt  }
0x42: {  	_ =	shalt  }
0x43: {  	_ =	shalt  }
0x44: {  	_ =	shalt  }
0x45: {  	_ =	shalt  }
0x46: {  	_ =	shalt  }
0x47: {  	_ =	shalt  }
0x48: {  	_ =	shalt  }
0x49: {  	_ =	shalt  }
0x4a: {  	_ =	shalt  }
0x4b: {  	_ =	shalt  }
0x4c: {  	_ =	shalt  }
0x4d: {  	_ =	shalt  }
0x4e: {  	_ =	shalt  }
0x4f: {  	_ =	shalt  }
0x50: {  	_ =	shalt  }
0x51: {  	_ =	shalt  }
0x52: {  	_ =	shalt  }
0x53: {  	_ =	shalt  }
0x54: {  	_ =	shalt  }
0x55: {  	_ =	shalt  }
0x56: {  	_ =	shalt  }
0x57: {  	_ =	shalt  }
0x58: {  	_ =	shalt  }
0x59: {  	_ =	shalt  }
0x5a: {  	_ =	shalt  }
0x5b: {  	_ =	shalt  }
0x5c: {  	_ =	shalt  }
0x5d: {  	_ =	shalt  }
0x5e: {  	_ =	shalt  }
0x5f: {  	_ =	shalt  }
0x60: {  	_ =	shalt  }
0x61: {  	_ =	shalt  }
0x62: {  	_ =	shalt  }
0x63: {  	_ =	shalt  }
0x64: {  	_ =	shalt  }
0x65: {  	_ =	shalt  }
0x66: {  	_ =	shalt  }
0x67: {  	_ =	shalt  }
0x68: {  	_ =	shalt  }
0x69: {  	_ =	shalt  }
0x6a: {  	_ =	shalt  }
0x6b: {  	_ =	shalt  }
0x6c: {  	_ =	shalt  }
0x6d: {  	_ =	shalt  }
0x6e: {  	_ =	shalt  }
0x6f: {  	_ =	shalt  }
0x70: {  	_ =	shalt  }
0x71: {  	_ =	shalt  }
0x72: {  	_ =	shalt  }
0x73: {  	_ =	shalt  }
0x74: {  	_ =	shalt  }
0x75: {  	_ =	shalt  }
0x76: {  	_ =	shalt  }
0x77: {  	_ =	shalt  }
0x78: {  	_ =	shalt  }
0x79: {  	_ =	shalt  }
0x7a: {  	_ =	shalt  }
0x7b: {  	_ =	shalt  }
0x7c: {  	_ =	shalt  }
0x7d: {  	_ =	shalt  }
0x7e: {  	_ =	shalt  }
0x7f: {  	_ =	shalt  }
0x80: {  	_ =	shalt  }
0x81: {  	_ =	shalt  }
0x82: {  	_ =	shalt  }
0x83: {  	_ =	shalt  }
0x84: {  	_ =	shalt  }
0x85: {  	_ =	shalt  }
0x86: {  	_ =	shalt  }
0x87: {  	_ =	shalt  }
.Lfunc_end0:
.L_simem_size_0:
called_computation.1_lowered:
.L_overlay_start_0:
0x88: {  	s2 =	sld [smem:$0x3FD9]  }
0x89: {  	s3 =	sld [smem:$0x3FFE];
	_ =	sdelay $0x1  }
0x8a: {  	s1 =	srdreg.scid  }
0x8b: {  	s0 =	sand.u32 $0x1, s1  }
0x8c: {  	s17 =	sshll.u32 s0, $0xA;
	s2 =	sadd.s32 s3, s2  }
0x8d: {  	s2 =	sadd.s32 s2, s17  }
0x8e: {  	[smem:$0x3FBF] =	sst s2  }
0x8f: {  	_ = 	snop  }
0x90: {  	s18 =	sld [smem:$0x3FD0];
	(tm) =	ssettm $0x1  }
0x91: {  	s19 =	sld [smem:$0x3FFB];
	_ =	sdelay $0x3  }
0x92: {  	_ =	strace s19  }
0x93: {  	s2 =	sld [smem:$0x3FFC];
	_ =	sdelay $0x3  }
0x94: {  	_ =	strace s2  }
0x95: {  	s2 =	sld [smem:$0x3FFD];
	_ =	sdelay $0x3  }
0x96: {  	_ =	strace s2  }
0x97: {  	_ =	strace $0x8FFFFFFF  }
0x98: {  	s20 =	sld [smem:$0x3FDB];
	_ =	sdelay $0x1  }
0x99: {  	s4 =	simm.s32 $_scs_section_size  }
0x9a: {  	s5 =	simm.s32 $_size__tile_overlayer_lowered;
	s6 =	simm.s32 $_tile_overlayer_lowered  }
0x9b: {  	s7 =	simm.s32 $0x1BFF;
	s21 =	sshll.u32 s6, $0x1;
	s4 =	sadd.s32 s4, s20  }
0x9c: {  	s22 =	simm.s32 $0x0;
	s5 =	sshll.u32 s5, $0x1;
	s6 =	sadd.s32 s21, s4  }
0x9d: {  	[timem:s22], [sflag:s7] =	dma.local [hbm:s6], s5  }
0x9e: {  	_ =	swait.ge [sflag:s7], s5  }
0x9f: {  	s5 =	ssub.s32 $0x0, s5;
	[sflag:s7] =	ssyncset.done $0x0  }
0xa0: {  	[sflag:s7] =	ssyncadd.s32 s5;
	_ =	sdelay $0x1  }
0xa1: {  	s23 =	simm.s32 $0x1B8B  }
0xa2: {  	_ =	swait.ge [sflag:s23], $0x1  }
0xa3: {  	[sflag:s23] =	ssyncset.done $0x0  }
0xa4: {  	[sflag:s23] =	ssyncadd.s32 $0xFFFFFFFF  }
0xa5: {  	s5 =	sld [smem:$0x0]  }
0xa6: {  	s6 =	sand.u32 $0xFFFFFFFE, s1  }
0xa7: {  	p0 =	sne.s32 s1, s6  }
0xa8: {  	s6 =	sshll.u32 @p0 s6, $0xE  }
0xa9: {  	s6 =	sadd.s32 @p0 $0x11B8D, s6;
	s7 =	sshll.u32 @p0 s5, $0x11  }
0xaa: {  	s6 =	sor.u32 @p0 s7, s6  }
0xab: {  	[sflag:s6] =	ssyncadd.remote.s32 @p0 $0x1;
	_ =	sdelay $0x1  }
0xac: {  	s6 =	simm.s32 @p0 $0x1B8D  }
0xad: {  	_ =	swait.eq @p0 [sflag:s6], $0x1  }
0xae: {  	[sflag:s6] =	ssyncadd.s32 @p0 $0xFFFFFFFF  }
0xaf: {  	s7 =	sshll.u32 @!p0 s1, $0xE  }
0xb0: {  	s7 =	sor.u32 @!p0 $0x4000, s7;
	s6 =	simm.s32 @!p0 $0x1B8D  }
0xb1: {  	s5 =	sshll.u32 @!p0 s5, $0x11;
	s7 =	sadd.s32 @!p0 $0x11B8D, s7;
	_ =	swait.eq @!p0 [sflag:s6], $0x1  }
0xb2: {  	s5 =	sor.u32 @!p0 s5, s7;
	[sflag:s6] =	ssyncadd.s32 @!p0 $0xFFFFFFFF  }
0xb3: {  	s25 =	simm.s32 $0x1B8E;
	s24 =	sld [smem:$0x3FFE];
	[sflag:s5] =	ssyncadd.remote.s32 @!p0 $0x1  }
0xb4: {  	s26 =	simm.s32 $execute0_lowered;
	[smem:$0x3FD2] =	sst s25  }
0xb5: {  	s6 =	sshll.u32 s26, $0x1;
	_ =	strace $0x80000049;
	[dreg:$0x1] =	wrdreg $0xFFFFFFFF  }
0xb6: {  	s28 =	simm.s32 $_size_execute0_lowered;
	s4 =	sadd.s32 s4, s6;
	[dreg:$0x0] =	wrdreg $0x0  }
0xb7: {  	s6 =	sshll.u32 s28, $0x1;
	[dreg:$0x2] =	wrdreg s4  }
0xb8: {  	[dreg:$0x3] =	wrdreg s6  }
0xb9: {  	[dreg:$0x4] =	wrdreg $0xC0  }
0xba: {  	_ =	task [dreg:s22], $0x5FFFF  }
0xbb: {  	[dreg:$0x1] =	wrdreg $0xFFFFFFFF  }
0xbc: {  	[dreg:$0x0] =	wrdreg $0x60  }
0xbd: {  	[dreg:$0x2] =	wrdreg s24  }
0xbe: {  	[dreg:$0x3] =	wrdreg s18  }
0xbf: {  	[dreg:$0x4] =	wrdreg $0xA  }
0xc0: {  	_ =	task.clear_ibuf [dreg:s22], $0x5FFFF;
	_ =	strace $0x90000049  }
0xc1: {  	s29 =	simm.s32 $0xA;
	_ =	strace $0x8000004B  }
0xc2: {  	_ =	swait.ge [sflag:s29], $0x1  }
0xc3: {  	[sflag:s29] =	ssyncadd.s32 $0xFFFFFFFF  }
0xc4: {  	_ =	strace $0x9000004B  }
0xc5: {  	_ =	sfence  }
0xc6: {  	s30 =	sld [smem:$0x0];
	_ =	sdelay $0x2  }
0xc7: {  	s31 =	sshll.u32 s1, $0xD;
	s1 =	sshrl.u32 s1, $0x2  }
0xc8: {  	s4 =	sand.u32 $0x4000, s31;
	s1 =	sadd.s32 s1, s30  }
0xc9: {  	s0 =	sor.u32 s4, s0;
	s1 =	sshll.u32 s1, $0x11  }
0xca: {  	s0 =	sor.u32 s1, s0  }
0xcb: {  	s0 =	sadd.s32 $0x8F2B, s0  }
0xcc: {  	[sflag:s0] =	ssyncadd.remote.s32 $0x1  }
0xcd: {  	_ =	sfence.sel $0xFFFF  }
0xce: {  	[dreg:$0x0] =	wrdreg $0xFFFFFFFF;
	(pc) =	sbr.abs _section_cstart, $3  }
0xcf: {  	[dreg:$0x1] =	wrdreg $0xFFFFFFFF  }
0xd0: {  	_ =	task.clear_ibuf [dreg:s22], $0x2FFFF;
	_ =	strace $0x9FFFFFFF  }
0xd1: {  	(tm) =	ssettm $0x7FFFFFFF  }
tec
execute0_lowered:
.L_overlay_start_1:
0x0: {  	(tag) =	ssettag $0x1  }
0x1: {  	s0 =	rddreg [dreg:$0x0];
	s1 =	srdreg.scid  }
0x2: {  	s11 =	stileid.u32;
	s4 =	rddreg [dreg:$0x1]  }
0x3: {  	s2 =	simm.s32 $0x0;
	s12 =	simm.s32 $0x1400;
	s13 =	simm.s32 $0x3400  }
0x4: {  	s15 =	simm.s32 $0x5400;
	s17 =	simm.s32 $0x7400;
	s19 =	simm.s32 $0x9400  }
0x5: {  	s20 =	simm.s32 $0x1;
	s28 =	simm.s32 $0x400;
	s29 =	simm.s32 $0x11400  }
0x6: {  	s30 =	simm.s32 $0x480;
	s31 =	simm.s32 $0x13400;
	s8 =	smul.u32 $0x50, s11  }
0x7: {  	s1 =	sand.u32 $0x1, s1;
	s3 =	sshll.u32 s11, $0x1;
	s24 =	smul.u32 $0x14000, s11  }
0x8: {  	[smem:$0x7FF] =	sst s2;
	s5 =	sor.u32 s1, s3;
	s10 =	smul.u32 $0x28, s1  }
0x9: {  	_ =	strace $0x8000004A;
	s7 =	ssub.s32 $0x2, s1;
	s1 =	smul.u32 $0xA000, s1  }
0xa: {  	s11 =	simm.s32 $0x80;
	s3 =	sadd.s32 $0x188800, s0;
	s6 =	smul.u32 $0x280, s5  }
0xb: {  	s0 =	sadd.s32 $0x24BE00, s0;
	s9 =	sshrl.u32 s7, $0x1;
	s22 =	smul.u32 $0xA000, s5  }
0xc: {  	s7 =	ssub.s32 s7, s9;
	s23 =	sadd.s32 s10, s8;
	s10 =	simm.s32 $0x3  }
0xd: {  	s4 =	sadd.s32 s4, s6;
	s5 =	smax.u32 s7, $0x1;
	s25 =	sshll.u32 s23, $0xA  }
0xe: {  	s6 =	sadd.s32 s0, s22;
	s22 =	simm.s32 $0xB400;
	s26 =	sadd.s32 s0, s25  }
0xf: {  	s0 =	sadd.s32 s24, s0;
	s7 =	sadd.s32 $0x1400, s6;
	s24 =	simm.s32 $0xD400  }
0x10: {  	s21 =	sadd.s32 $0x3C00, s26;
	s0 =	sadd.s32 s1, s0;
	s26 =	simm.s32 $0xF400  }
0x11: {  	s1 =	simm.s32 $0x2;
	s9 =	sadd.s32 $0x2800, s0;
	s0 =	simm.s32 $0x0  }
.LBB2_1:
0x12: {  	[tilespmem:s2], [sflag:$0x3] =	stream.linear.gather [hbm4b:s4+s2], $0x1400, $0x38;
	[tilespmem:$0x15400] =	vst v63  }
0x13: {  	_ =	swait.ge [sflag:s10], $0x1400  }
0x14: {  	[sflag:s10] =	ssyncset.done $0x0  }
0x15: {  	[sflag:s10] =	ssyncadd.s32 $0xFFFFEC00  }
0x16: {  	[tilespmem:s12], [sflag:$0x1] =	stream.indirect.gather [hbm4b:s3+s11], $0x40, s2, s11, $0xb8;
	[tilespmem:$0x15400] =	vst v63  }
0x17: {  	_ = 	snop  }
0x18: {  	[tilespmem:s13], [sflag:$0x1] =	stream.indirect.gather [hbm4b:s3+s11], $0x40, s11, s11, $0xb8;
	[tilespmem:$0x15400] =	vst v63  }
0x19: {  	s8 =	simm.s32 $0x100  }
0x1a: {  	[tilespmem:s15], [sflag:$0x1] =	stream.indirect.gather [hbm4b:s3+s11], $0x40, s8, s11, $0xb8;
	[tilespmem:$0x15400] =	vst v63  }
0x1b: {  	s14 =	simm.s32 $0x180  }
0x1c: {  	[tilespmem:s17], [sflag:$0x1] =	stream.indirect.gather [hbm4b:s3+s11], $0x40, s14, s11, $0xb8;
	[tilespmem:$0x15400] =	vst v63  }
0x1d: {  	s16 =	simm.s32 $0x200  }
0x1e: {  	[tilespmem:s19], [sflag:$0x1] =	stream.indirect.gather [hbm4b:s3+s11], $0x40, s16, s11, $0xb8;
	[tilespmem:$0x15400] =	vst v63  }
0x1f: {  	_ =	swait.ge [sflag:s20], $0x2000  }
0x20: {  	[sflag:s20] =	ssyncset.done $0x0  }
0x21: {  	[sflag:s20] =	ssyncadd.s32 $0xFFFFE000  }
0x22: {  	_ =	swait.ge [sflag:s20], $0x2000  }
0x23: {  	[sflag:s20] =	ssyncset.done $0x0  }
0x24: {  	[sflag:s20] =	ssyncadd.s32 $0xFFFFE000  }
0x25: {  	_ =	swait.ge [sflag:s20], $0x2000  }
0x26: {  	[sflag:s20] =	ssyncset.done $0x0  }
0x27: {  	[sflag:s20] =	ssyncadd.s32 $0xFFFFE000  }
0x28: {  	_ =	swait.ge [sflag:s20], $0x2000  }
0x29: {  	[sflag:s20] =	ssyncset.done $0x0  }
0x2a: {  	[sflag:s20] =	ssyncadd.s32 $0xFFFFE000  }
0x2b: {  	_ =	swait.ge [sflag:s20], $0x2000  }
0x2c: {  	[sflag:s20] =	ssyncset.done $0x0  }
0x2d: {  	[sflag:s20] =	ssyncadd.s32 $0xFFFFE000  }
0x2e: {  	[hbm4b:s6+s2] =	stream.linear.scatter [tilespmem:s12], [sflag:$0x2], $0xA000, $0x38;
	[tilespmem:$0x15400] =	vst v63  }
0x2f: {  	s18 =	simm.s32 $0x280  }
0x30: {  	[tilespmem:s22], [sflag:$0x1] =	stream.indirect.gather [hbm4b:s3+s11], $0x40, s18, s11, $0xb8;
	[tilespmem:$0x15400] =	vst v63  }
0x31: {  	s23 =	simm.s32 $0x300  }
0x32: {  	[tilespmem:s24], [sflag:$0x1] =	stream.indirect.gather [hbm4b:s3+s11], $0x40, s23, s11, $0xb8;
	[tilespmem:$0x15400] =	vst v63  }
0x33: {  	s25 =	simm.s32 $0x380  }
0x34: {  	[tilespmem:s26], [sflag:$0x1] =	stream.indirect.gather [hbm4b:s3+s11], $0x40, s25, s11, $0xb8;
	[tilespmem:$0x15400] =	vst v63  }
0x35: {  	_ = 	snop  }
0x36: {  	[tilespmem:s29], [sflag:$0x1] =	stream.indirect.gather [hbm4b:s3+s11], $0x40, s28, s11, $0xb8;
	[tilespmem:$0x15400] =	vst v63  }
0x37: {  	_ = 	snop  }
0x38: {  	[tilespmem:s31], [sflag:$0x1] =	stream.indirect.gather [hbm4b:s3+s11], $0x40, s30, s11, $0xb8;
	[tilespmem:$0x15400] =	vst v63  }
0x39: {  	_ =	swait.ge [sflag:s20], $0x2000  }
0x3a: {  	[sflag:s20] =	ssyncset.done $0x0  }
0x3b: {  	[sflag:s20] =	ssyncadd.s32 $0xFFFFE000  }
0x3c: {  	_ =	swait.ge [sflag:s20], $0x2000  }
0x3d: {  	[sflag:s20] =	ssyncset.done $0x0  }
0x3e: {  	[sflag:s20] =	ssyncadd.s32 $0xFFFFE000  }
0x3f: {  	_ =	swait.ge [sflag:s20], $0x2000  }
0x40: {  	[sflag:s20] =	ssyncset.done $0x0  }
0x41: {  	[sflag:s20] =	ssyncadd.s32 $0xFFFFE000  }
0x42: {  	_ =	swait.ge [sflag:s20], $0x2000  }
0x43: {  	[sflag:s20] =	ssyncset.done $0x0  }
0x44: {  	[sflag:s20] =	ssyncadd.s32 $0xFFFFE000  }
0x45: {  	_ =	swait.ge [sflag:s20], $0x2000  }
0x46: {  	[sflag:s20] =	ssyncset.done $0x0  }
0x47: {  	[sflag:s20] =	ssyncadd.s32 $0xFFFFE000  }
0x48: {  	[hbm4b:s7+s2] =	stream.linear.scatter [tilespmem:s22], [sflag:$0x2], $0xA000, $0x38;
	[tilespmem:$0x15400] =	vst v63  }
0x49: {  	_ =	swait.ge [sflag:s1], $0xA000  }
0x4a: {  	[sflag:s1] =	ssyncset.done $0x0  }
0x4b: {  	s14 =	simm.s32 $0x500;
	[sflag:s1] =	ssyncadd.s32 $0xFFFF6000  }
0x4c: {  	[tilespmem:s12], [sflag:$0x1] =	stream.indirect.gather [hbm4b:s3+s11], $0x40, s14, s11, $0xb8;
	[tilespmem:$0x15400] =	vst v63  }
0x4d: {  	s16 =	simm.s32 $0x580  }
0x4e: {  	[tilespmem:s13], [sflag:$0x1] =	stream.indirect.gather [hbm4b:s3+s11], $0x40, s16, s11, $0xb8;
	[tilespmem:$0x15400] =	vst v63  }
0x4f: {  	s18 =	simm.s32 $0x600  }
0x50: {  	[tilespmem:s15], [sflag:$0x1] =	stream.indirect.gather [hbm4b:s3+s11], $0x40, s18, s11, $0xb8;
	[tilespmem:$0x15400] =	vst v63  }
0x51: {  	s23 =	simm.s32 $0x680  }
0x52: {  	[tilespmem:s17], [sflag:$0x1] =	stream.indirect.gather [hbm4b:s3+s11], $0x40, s23, s11, $0xb8;
	[tilespmem:$0x15400] =	vst v63  }
0x53: {  	s25 =	simm.s32 $0x700  }
0x54: {  	[tilespmem:s19], [sflag:$0x1] =	stream.indirect.gather [hbm4b:s3+s11], $0x40, s25, s11, $0xb8;
	[tilespmem:$0x15400] =	vst v63  }
0x55: {  	_ =	swait.ge [sflag:s20], $0x2000  }
0x56: {  	[sflag:s20] =	ssyncset.done $0x0  }
0x57: {  	[sflag:s20] =	ssyncadd.s32 $0xFFFFE000  }
0x58: {  	_ =	swait.ge [sflag:s20], $0x2000  }
0x59: {  	[sflag:s20] =	ssyncset.done $0x0  }
0x5a: {  	[sflag:s20] =	ssyncadd.s32 $0xFFFFE000  }
0x5b: {  	_ =	swait.ge [sflag:s20], $0x2000  }
0x5c: {  	[sflag:s20] =	ssyncset.done $0x0  }
0x5d: {  	[sflag:s20] =	ssyncadd.s32 $0xFFFFE000  }
0x5e: {  	_ =	swait.ge [sflag:s20], $0x2000  }
0x5f: {  	[sflag:s20] =	ssyncset.done $0x0  }
0x60: {  	[sflag:s20] =	ssyncadd.s32 $0xFFFFE000  }
0x61: {  	_ =	swait.ge [sflag:s20], $0x2000  }
0x62: {  	[sflag:s20] =	ssyncset.done $0x0  }
0x63: {  	[sflag:s20] =	ssyncadd.s32 $0xFFFFE000  }
0x64: {  	[hbm4b:s9+s2] =	stream.linear.scatter [tilespmem:s12], [sflag:$0x2], $0xA000, $0x38;
	[tilespmem:$0x15400] =	vst v63  }
0x65: {  	_ =	swait.ge [sflag:s1], $0xA000  }
0x66: {  	[sflag:s1] =	ssyncset.done $0x0  }
0x67: {  	s14 =	simm.s32 $0x780;
	[sflag:s1] =	ssyncadd.s32 $0xFFFF6000  }
0x68: {  	[tilespmem:s22], [sflag:$0x1] =	stream.indirect.gather [hbm4b:s3+s11], $0x40, s14, s11, $0xb8;
	[tilespmem:$0x15400] =	vst v63  }
0x69: {  	s16 =	simm.s32 $0x800  }
0x6a: {  	[tilespmem:s24], [sflag:$0x1] =	stream.indirect.gather [hbm4b:s3+s11], $0x40, s16, s11, $0xb8;
	[tilespmem:$0x15400] =	vst v63  }
0x6b: {  	s18 =	simm.s32 $0x880  }
0x6c: {  	[tilespmem:s26], [sflag:$0x1] =	stream.indirect.gather [hbm4b:s3+s11], $0x40, s18, s11, $0xb8;
	[tilespmem:$0x15400] =	vst v63  }
0x6d: {  	s23 =	simm.s32 $0x900  }
0x6e: {  	[tilespmem:s29], [sflag:$0x1] =	stream.indirect.gather [hbm4b:s3+s11], $0x40, s23, s11, $0xb8;
	[tilespmem:$0x15400] =	vst v63  }
0x6f: {  	s25 =	simm.s32 $0x980  }
0x70: {  	[tilespmem:s31], [sflag:$0x1] =	stream.indirect.gather [hbm4b:s3+s11], $0x40, s25, s11, $0xb8;
	[tilespmem:$0x15400] =	vst v63  }
0x71: {  	_ =	swait.ge [sflag:s20], $0x2000  }
0x72: {  	[sflag:s20] =	ssyncset.done $0x0  }
0x73: {  	[sflag:s20] =	ssyncadd.s32 $0xFFFFE000  }
0x74: {  	_ =	swait.ge [sflag:s20], $0x2000  }
0x75: {  	[sflag:s20] =	ssyncset.done $0x0  }
0x76: {  	[sflag:s20] =	ssyncadd.s32 $0xFFFFE000  }
0x77: {  	_ =	swait.ge [sflag:s20], $0x2000  }
0x78: {  	[sflag:s20] =	ssyncset.done $0x0  }
0x79: {  	[sflag:s20] =	ssyncadd.s32 $0xFFFFE000  }
0x7a: {  	_ =	swait.ge [sflag:s20], $0x2000  }
0x7b: {  	[sflag:s20] =	ssyncset.done $0x0  }
0x7c: {  	[sflag:s20] =	ssyncadd.s32 $0xFFFFE000  }
0x7d: {  	_ =	swait.ge [sflag:s20], $0x2000  }
0x7e: {  	s8 =	smov.u32 s21;
	s14 =	simm.s32 $0x1400;
	[sflag:s20] =	ssyncset.done $0x0  }
0x7f: {  	s16 =	sadd.s32 $0x2800, s21;
	s18 =	sadd.s32 $0x2800, s9;
	[sflag:s20] =	ssyncadd.s32 $0xFFFFE000  }
.LBB2_2:
0x80: {  	[hbm4b:s8+s2] =	stream.linear.scatter [tilespmem:s22], [sflag:$0x2], $0xA000, $0x38;
	[tilespmem:$0x15400] =	vst v63  }
0x81: {  	s23 =	smov.u32 s14;
	s8 =	smov.u32 s16  }
0x82: {  	p0 =	sne.s32 s14, $0x2800;
	s14 =	sadd.s32 $0x1400, s14;
	_ =	swait.ge [sflag:s1], $0xA000  }
0x83: {  	s23 =	sshra.s32 s23, $0x2;
	[sflag:s1] =	ssyncset.done $0x0  }
0x84: {  	s25 =	sadd.s32 $0x500, s23;
	[sflag:s1] =	ssyncadd.s32 $0xFFFF6000  }
0x85: {  	[tilespmem:s12], [sflag:$0x1] =	stream.indirect.gather [hbm4b:s3+s11], $0x40, s25, s11, $0xb8;
	[tilespmem:$0x15400] =	vst v63  }
0x86: {  	s25 =	sadd.s32 $0x580, s23  }
0x87: {  	[tilespmem:s13], [sflag:$0x1] =	stream.indirect.gather [hbm4b:s3+s11], $0x40, s25, s11, $0xb8;
	[tilespmem:$0x15400] =	vst v63  }
0x88: {  	s25 =	sadd.s32 $0x600, s23  }
0x89: {  	[tilespmem:s15], [sflag:$0x1] =	stream.indirect.gather [hbm4b:s3+s11], $0x40, s25, s11, $0xb8;
	[tilespmem:$0x15400] =	vst v63  }
0x8a: {  	s25 =	sadd.s32 $0x680, s23  }
0x8b: {  	[tilespmem:s17], [sflag:$0x1] =	stream.indirect.gather [hbm4b:s3+s11], $0x40, s25, s11, $0xb8;
	[tilespmem:$0x15400] =	vst v63  }
0x8c: {  	s25 =	sadd.s32 $0x700, s23  }
0x8d: {  	[tilespmem:s19], [sflag:$0x1] =	stream.indirect.gather [hbm4b:s3+s11], $0x40, s25, s11, $0xb8;
	[tilespmem:$0x15400] =	vst v63  }
0x8e: {  	_ =	swait.ge [sflag:s20], $0x2000  }
0x8f: {  	[sflag:s20] =	ssyncset.done $0x0  }
0x90: {  	[sflag:s20] =	ssyncadd.s32 $0xFFFFE000  }
0x91: {  	_ =	swait.ge [sflag:s20], $0x2000  }
0x92: {  	[sflag:s20] =	ssyncset.done $0x0  }
0x93: {  	[sflag:s20] =	ssyncadd.s32 $0xFFFFE000  }
0x94: {  	_ =	swait.ge [sflag:s20], $0x2000  }
0x95: {  	[sflag:s20] =	ssyncset.done $0x0  }
0x96: {  	[sflag:s20] =	ssyncadd.s32 $0xFFFFE000  }
0x97: {  	_ =	swait.ge [sflag:s20], $0x2000  }
0x98: {  	[sflag:s20] =	ssyncset.done $0x0  }
0x99: {  	[sflag:s20] =	ssyncadd.s32 $0xFFFFE000  }
0x9a: {  	_ =	swait.ge [sflag:s20], $0x2000  }
0x9b: {  	[sflag:s20] =	ssyncset.done $0x0  }
0x9c: {  	[sflag:s20] =	ssyncadd.s32 $0xFFFFE000  }
0x9d: {  	[hbm4b:s18+s2] =	stream.linear.scatter [tilespmem:s12], [sflag:$0x2], $0xA000, $0x38;
	[tilespmem:$0x15400] =	vst v63  }
0x9e: {  	_ =	swait.ge [sflag:s1], $0xA000  }
0x9f: {  	[sflag:s1] =	ssyncset.done $0x0  }
0xa0: {  	s25 =	sadd.s32 $0x780, s23;
	[sflag:s1] =	ssyncadd.s32 $0xFFFF6000  }
0xa1: {  	[tilespmem:s22], [sflag:$0x1] =	stream.indirect.gather [hbm4b:s3+s11], $0x40, s25, s11, $0xb8;
	[tilespmem:$0x15400] =	vst v63  }
0xa2: {  	s25 =	sadd.s32 $0x800, s23  }
0xa3: {  	[tilespmem:s24], [sflag:$0x1] =	stream.indirect.gather [hbm4b:s3+s11], $0x40, s25, s11, $0xb8;
	[tilespmem:$0x15400] =	vst v63  }
0xa4: {  	s25 =	sadd.s32 $0x880, s23  }
0xa5: {  	[tilespmem:s26], [sflag:$0x1] =	stream.indirect.gather [hbm4b:s3+s11], $0x40, s25, s11, $0xb8;
	[tilespmem:$0x15400] =	vst v63  }
0xa6: {  	s25 =	sadd.s32 $0x900, s23  }
0xa7: {  	[tilespmem:s29], [sflag:$0x1] =	stream.indirect.gather [hbm4b:s3+s11], $0x40, s25, s11, $0xb8;
	[tilespmem:$0x15400] =	vst v63  }
0xa8: {  	s23 =	sadd.s32 $0x980, s23  }
0xa9: {  	[tilespmem:s31], [sflag:$0x1] =	stream.indirect.gather [hbm4b:s3+s11], $0x40, s23, s11, $0xb8;
	[tilespmem:$0x15400] =	vst v63  }
0xaa: {  	_ =	swait.ge [sflag:s20], $0x2000  }
0xab: {  	[sflag:s20] =	ssyncset.done $0x0  }
0xac: {  	[sflag:s20] =	ssyncadd.s32 $0xFFFFE000  }
0xad: {  	_ =	swait.ge [sflag:s20], $0x2000  }
0xae: {  	[sflag:s20] =	ssyncset.done $0x0  }
0xaf: {  	[sflag:s20] =	ssyncadd.s32 $0xFFFFE000  }
0xb0: {  	_ =	swait.ge [sflag:s20], $0x2000  }
0xb1: {  	[sflag:s20] =	ssyncset.done $0x0  }
0xb2: {  	[sflag:s20] =	ssyncadd.s32 $0xFFFFE000  }
0xb3: {  	_ =	swait.ge [sflag:s20], $0x2000  }
.Ltmp0:
0xb4: {  	[sflag:s20] =	ssyncset.done $0x0;
	(pc) =	sbr.rel @p0 .LBB2_2-.Ltmp0, $4  }
0xb5: {  	[sflag:s20] =	ssyncadd.s32 $0xFFFFE000  }
0xb6: {  	_ =	swait.ge [sflag:s20], $0x2000  }
0xb7: {  	[sflag:s20] =	ssyncset.done $0x0  }
0xb8: {  	s16 =	sadd.s32 $0x2800, s16;
	s18 =	sadd.s32 $0x2800, s18;
	[sflag:s20] =	ssyncadd.s32 $0xFFFFE000  }
0xb9: {  	[hbm4b:s8+s2] =	stream.linear.scatter [tilespmem:s22], [sflag:$0x2], $0xA000, $0x38;
	[tilespmem:$0x15400] =	vst v63  }
0xba: {  	s0 =	sadd.s32 $0x1, s0  }
0xbb: {  	_ =	swait.ge [sflag:s1], $0xA000;
	p0 =	sne.s32 s0, s5  }
.Ltmp1:
0xbc: {  	[sflag:s1] =	ssyncset.done $0x0;
	(pc) =	sbr.rel @p0 .LBB2_1-.Ltmp1, $4  }
0xbd: {  	[sflag:s1] =	ssyncadd.s32 $0xFFFF6000  }
0xbe: {  	_ =	swait.ge [sflag:s1], $0xA000  }
0xbf: {  	[sflag:s1] =	ssyncset.done $0x0  }
0xc0: {  	[sflag:s1] =	ssyncadd.s32 $0xFFFF6000  }
0xc1: {  	_ =	sfence.sel $0x180000  }
0xc2: {  	[bflag:$0x0] =	sbarrier.arrive $0xFFFF  }
0xc3: {  	_ =	strace $0x9000004A  }
0xc4: {  	s0 =	stileid.u32;
	[bflag:$0x2] =	sbarrier.arrive $0xFFFF  }
0xc5: {  	p0 =	sne.s32 s0, $0x0;
	s0 =	rddreg [dreg:$0x2]  }
0xc6: {  	s0 =	sadd.s32 @!p0 $0x100000, s0  }
0xc7: {  	[sflag:s0] =	ssyncadd.tile.s32 @!p0 $0x1;
	_ =	shalt  }
.Lfunc_end2:
_tile_overlayer_lowered:
.L_overlay_start_2:
0xc8: {  	(tag) =	ssettag $0x2  }
0xc9: {  	s0 =	rddreg [dreg:$0x0];
	s2 =	stileid.u32  }
0xca: {  	s1 =	rddreg [dreg:$0x1];
	p0 =	sne.s32 s2, $0x0  }
0xcb: {  	s3 =	rddreg [dreg:$0x2];
	[bflag:$0x3] =	sbarrier.arrive $0xFFFF;
	s2 =	simm.s32 @!p0 $0x1C03  }
0xcc: {  	[timem:s3], [sflag:s2] =	dma.local @!p0 [hbm:s0], s1  }
0xcd: {  	s0 =	simm.s32 @!p0 $0x3  }
0xce: {  	_ =	swait.ge @!p0 [sflag:s0], s1  }
0xcf: {  	s1 =	ssub.s32 @!p0 $0x0, s1;
	[sflag:s0] =	ssyncset.done @!p0 $0x0  }
0xd0: {  	[sflag:s0] =	ssyncadd.s32 @!p0 s1  }
0xd1: {  	[bflag:$0x3] =	sbarrier.arrive $0xFFFF  }
0xd2: {  	_ =	shalt  }

</sc_bundles>
